<compile_context>
chip_gen: v7x
topology: tpu7x:2x2x1
jax: 0.10.2.dev20260603
libtpu: 0.0.44.dev20260713+nightly
codegen_flags: <defaults>
</compile_context>

<pallas_src>
import functools

import jax
import jax.numpy as jnp
from jax import lax
from jax.experimental import pallas as pl
from jax.experimental.pallas import tpu as pltpu
from jax.experimental.pallas import tpu_sc as plsc

BATCH = 16384
EMB_K = 64
NUM_CORES = 2
NUM_SUBCORES = 16
NW = NUM_CORES * NUM_SUBCORES
B_PER_W = BATCH // NW
NBANDS = EMB_K // 8
NPAIR = BATCH // 2



def _sc_gather_body(idx_hbm, tbl_hbm, pair_out, idx_v, rows_v, sem):
    wid = lax.axis_index("s") * NUM_CORES + lax.axis_index("c")
    base = wid * B_PER_W
    pltpu.sync_copy(idx_hbm.at[pl.ds(base, B_PER_W)], idx_v)
    cp = pltpu.async_copy(tbl_hbm.at[idx_v], rows_v, sem)
    row0 = 512 * (wid // 2)
    col0 = EMB_K * (wid % 2)
    cp.wait()
    pltpu.sync_copy(rows_v, pair_out.at[pl.ds(row0, B_PER_W), pl.ds(col0, EMB_K)])


@functools.cache
def _sc_gather():
    return pl.kernel(
        _sc_gather_body,
        mesh=plsc.VectorSubcoreMesh(
            core_axis_name="c", subcore_axis_name="s",
            num_cores=NUM_CORES, num_subcores=NUM_SUBCORES),
        out_type=jax.ShapeDtypeStruct((NPAIR, 128), jnp.float32),
        scratch_types=[
            pltpu.VMEM((B_PER_W,), jnp.int32),
            pltpu.VMEM((B_PER_W, EMB_K), jnp.float32),
            pltpu.SemaphoreType.DMA,
        ],
        compiler_params=pltpu.CompilerParams(
            use_tc_tiling_on_sc=False, needs_layout_passes=False),
    )



PAIR_BLK = 2048
LT_HALF = PAIR_BLK // 128


def _mlp_body(u2_ref, v2_ref, w1u_ref, w1v_ref, b1_ref, w2_ref,
              out_ref, u4_ref, v4_ref):
    w1u = w1u_ref[...]
    w1v = w1v_ref[...]
    b1 = b1_ref[...]
    w2 = w2_ref[...]
    up = u2_ref[...]
    vp = v2_ref[...]
    for half in range(2):
        u = up[:, EMB_K * half:EMB_K * (half + 1)]
        v = vp[:, EMB_K * half:EMB_K * (half + 1)]
        h = (lax.dot_general(u, w1u, (((1,), (1,)), ((), ())),
                             preferred_element_type=jnp.float32)
             + lax.dot_general(v, w1v, (((1,), (1,)), ((), ())),
                               preferred_element_type=jnp.float32)
             + b1)
        h = jnp.maximum(h, 0.0)
        logit = jnp.sum(h * w2, axis=1)
        sig = jax.nn.sigmoid(logit)
        for gk in range(PAIR_BLK // 512):
            out_ref[0, pl.ds(1024 * gk + 512 * half, 512)] = (
                sig[512 * gk:512 * (gk + 1)])
        ut = u.T
        vt = v.T
        for tt in range(LT_HALF):
            t = 8 * (tt // 4) + 4 * half + (tt % 4)
            u4_ref[:, t] = ut[:, 128 * tt:128 * (tt + 1)].reshape(NBANDS, 8, 128)
            v4_ref[:, t] = vt[:, 128 * tt:128 * (tt + 1)].reshape(NBANDS, 8, 128)


def _mlp(u2, v2, w1u, w1v, b1, w2):
    grid = (NPAIR // PAIR_BLK,)
    return pl.pallas_call(
        _mlp_body,
        grid=grid,
        in_specs=[
            pl.BlockSpec((PAIR_BLK, 128), lambda i: (i, 0)),
            pl.BlockSpec((PAIR_BLK, 128), lambda i: (i, 0)),
            pl.BlockSpec((EMB_K, EMB_K), lambda i: (0, 0)),
            pl.BlockSpec((EMB_K, EMB_K), lambda i: (0, 0)),
            pl.BlockSpec((1, EMB_K), lambda i: (0, 0)),
            pl.BlockSpec((1, EMB_K), lambda i: (0, 0)),
        ],
        out_specs=[
            pl.BlockSpec((1, 2 * PAIR_BLK), lambda i: (0, i)),
            pl.BlockSpec((NBANDS, 2 * LT_HALF, 8, 128), lambda i: (0, i, 0, 0)),
            pl.BlockSpec((NBANDS, 2 * LT_HALF, 8, 128), lambda i: (0, i, 0, 0)),
        ],
        out_shape=[
            jax.ShapeDtypeStruct((1, BATCH), jnp.float32),
            jax.ShapeDtypeStruct((NBANDS, BATCH // 128, 8, 128), jnp.float32),
            jax.ShapeDtypeStruct((NBANDS, BATCH // 128, 8, 128), jnp.float32),
        ],
    )(u2, v2, w1u, w1v, b1, w2)


def kernel(x, W_table, H_table, W1, b1, W2):
    u_idx = x[:, 0]
    v_idx = x[:, 1]
    g = _sc_gather()
    u2 = g(u_idx, W_table)
    v2 = g(v_idx, H_table)
    w1u = W1[:, :EMB_K]
    w1v = W1[:, EMB_K:]
    out2d, u4, v4 = _mlp(u2, v2, w1u, w1v, b1.reshape(1, EMB_K), W2)
    u_emb = u4.transpose(0, 2, 1, 3).reshape(EMB_K, BATCH).T
    v_emb = v4.transpose(0, 2, 1, 3).reshape(EMB_K, BATCH).T
    return (out2d.reshape(BATCH), u_emb, v_emb)

# --- scband reference (transcript-rebuilt; emitter-appended) ---
"""Pipeline reference for scband-ncf-82042465289013 (READ-ONLY COPY).

The authoritative reference and input builder live on the scoring server;
editing this copy changes nothing except your own understanding.
"""

import jax, jax.numpy as jnp
import numpy as np

NUM_USERS = 100000
NUM_ITEMS = 100000
EMB_K = 64
BATCH = 16384


def setup_inputs(seed: int = 0) -> dict:
    key = jax.random.key(seed)
    k1, k2, k3, k4, k5, k6 = jax.random.split(key, 6)
    x = jax.random.randint(k1, (BATCH, 2), 0, NUM_USERS, dtype=jnp.int64 if jax.config.jax_enable_x64 else jnp.int32).astype(jnp.int32)
    W_table = jax.random.normal(k2, (NUM_USERS, EMB_K), dtype=jnp.float32)
    H_table = jax.random.normal(k3, (NUM_ITEMS, EMB_K), dtype=jnp.float32)
    # nn.Linear(2*K, K): weight [K, 2K], bias [K]
    lim1 = 1.0 / np.sqrt(2 * EMB_K)
    W1 = jax.random.uniform(k4, (EMB_K, 2 * EMB_K), minval=-lim1, maxval=lim1, dtype=jnp.float32)
    b1 = jax.random.uniform(k5, (EMB_K,), minval=-lim1, maxval=lim1, dtype=jnp.float32)
    # nn.Linear(K, 1, bias=False): weight [1, K]
    lim2 = 1.0 / np.sqrt(EMB_K)
    W2 = jax.random.uniform(k6, (1, EMB_K), minval=-lim2, maxval=lim2, dtype=jnp.float32)
    return {"x": x, "W_table": W_table, "H_table": H_table, "W1": W1, "b1": b1, "W2": W2}


def reference(x, W_table, H_table, W1, b1, W2):
    user_idx = x[:, 0]
    item_idx = x[:, 1]
    U_emb = jnp.take(W_table, user_idx, axis=0)
    V_emb = jnp.take(H_table, item_idx, axis=0)
    out = jnp.concatenate((U_emb, V_emb), axis=1)
    h1 = out @ W1.T + b1
    h1 = jax.nn.relu(h1)
    output = h1 @ W2.T
    output = jax.nn.sigmoid(output).squeeze()
    return (output, U_emb, V_emb)

if __name__ == "__main__":
    import jax
    _d = setup_inputs()
    print(jax.jit(kernel)(*tuple(_d.values())))

</pallas_src>

<mosaic_0001>
#map = affine_map<(d0, d1) -> (0)>
#map1 = affine_map<(d0, d1) -> (0, 0)>
module attributes {stable_mosaic.version = 14 : i64} {
  func.func @_sc_gather_body(%arg0: i32, %arg1: i32, %arg2: memref<16384xi32, #tpu.memory_space<hbm>>, %arg3: memref<100000x64xf32, #tpu.memory_space<hbm>>, %arg4: memref<8192x128xf32, #tpu.memory_space<hbm>>, %arg5: memref<512xi32, #tpu.memory_space<vmem>>, %arg6: memref<512x64xf32, #tpu.memory_space<vmem>>, %arg7: memref<!tpu.dma_semaphore, #tpu.memory_space<semaphore_mem>>) attributes {dimension_semantics = [#tpu.dimension_semantics<core_parallel>, #tpu.dimension_semantics<subcore_parallel>], iteration_bounds = array<i64: 2, 16>, scalar_prefetch = 0 : i64, scratch_operands = 3 : i64, tpu.core_type = #tpu.core_type<sc_vector_subcore>, window_params = [{transform_indices = #map}, {transform_indices = #map1}, {transform_indices = #map1}]} {
    %mul3A = arith.constant 2 : i32
    %mul3A_0 = arith.muli %arg1, %mul3A : i32
    %add3A = arith.addi %mul3A_0, %arg0 : i32
    %mul3A_1 = arith.constant 512 : i32
    %mul3A_2 = arith.muli %add3A, %mul3A_1 : i32
    "tpu.region"() ({
      %run_scoped3A = tpu.sem_alloc : memref<!tpu.dma_semaphore, #tpu.memory_space<semaphore_mem>>
      %dma_start3A_41 = tpu.memref_slice %arg2[%mul3A_2] : memref<16384xi32, #tpu.memory_space<hbm>> -> memref<512xi32, #tpu.memory_space<hbm>>
      %dma_start3A_42 = tpu.memref_slice %arg2[%mul3A_2] : memref<16384xi32, #tpu.memory_space<hbm>> -> memref<512xi32, #tpu.memory_space<hbm>>
      tpu.enqueue_dma source(%dma_start3A_42 : memref<512xi32, #tpu.memory_space<hbm>>) target(%arg5 : memref<512xi32, #tpu.memory_space<vmem>>) target_semaphore(%run_scoped3A : memref<!tpu.dma_semaphore, #tpu.memory_space<semaphore_mem>>)
      %dma_wait3A_43 = tpu.memref_slice %arg2[%mul3A_2] : memref<16384xi32, #tpu.memory_space<hbm>> -> memref<512xi32, #tpu.memory_space<hbm>>
      %dma_wait3A_44 = tpu.memref_slice %arg2[%mul3A_2] : memref<16384xi32, #tpu.memory_space<hbm>> -> memref<512xi32, #tpu.memory_space<hbm>>
      tpu.wait_dma2 semaphore(%run_scoped3A : memref<!tpu.dma_semaphore, #tpu.memory_space<semaphore_mem>>) src(%dma_wait3A_44 : memref<512xi32, #tpu.memory_space<hbm>>) dst(%arg5 : memref<512xi32, #tpu.memory_space<vmem>>)
      tpu.yield
    }) : () -> ()
    %dma_start3A = arith.constant 0 : i32
    %dma_start3A_3 = arith.constant 0 : i32
    %dma_start3A_4 = tpu.memref_slice %arg3[%dma_start3A, %dma_start3A_3] : memref<100000x64xf32, #tpu.memory_space<hbm>> -> memref<100000x64xf32, #tpu.memory_space<hbm>>
    tpu.enqueue_indirect_dma source(%dma_start3A_4 : memref<100000x64xf32, #tpu.memory_space<hbm>>) target(%arg6 : memref<512x64xf32, #tpu.memory_space<vmem>>) offsets(%arg5 : memref<512xi32, #tpu.memory_space<vmem>>) semaphore(%arg7 : memref<!tpu.dma_semaphore, #tpu.memory_space<semaphore_mem>>)
    %jit3A = arith.constant 2 : i32
    %div3A = arith.divsi %add3A, %jit3A : i32
    %sign3A = arith.constant 0 : i32
    %sign3A_5 = arith.cmpi sgt, %add3A, %sign3A : i32
    %sign3A_6 = arith.extui %sign3A_5 : i1 to i32
    %sign3A_7 = arith.constant 0 : i32
    %sign3A_8 = arith.cmpi slt, %add3A, %sign3A_7 : i32
    %sign3A_9 = arith.extui %sign3A_8 : i1 to i32
    %sign3A_10 = arith.subi %sign3A_6, %sign3A_9 : i32
    %sign3A_11 = arith.constant 0 : i32
    %sign3A_12 = arith.cmpi sgt, %jit3A, %sign3A_11 : i32
    %sign3A_13 = arith.extui %sign3A_12 : i1 to i32
    %sign3A_14 = arith.constant 0 : i32
    %sign3A_15 = arith.cmpi slt, %jit3A, %sign3A_14 : i32
    %sign3A_16 = arith.extui %sign3A_15 : i1 to i32
    %sign3A_17 = arith.subi %sign3A_13, %sign3A_16 : i32
    %ne3A = arith.cmpi ne, %sign3A_10, %sign3A_17 : i32
    %rem3A = arith.remsi %add3A, %jit3A : i32
    %ne3A_18 = arith.constant 0 : i32
    %ne3A_19 = arith.cmpi ne, %rem3A, %ne3A_18 : i32
    %and3A = arith.andi %ne3A, %ne3A_19 : i1
    %sub3A = arith.constant 1 : i32
    %sub3A_20 = arith.subi %div3A, %sub3A : i32
    %select_n3A = arith.select %and3A, %sub3A_20, %div3A : i32
    %mul3A_21 = arith.constant 512 : i32
    %mul3A_22 = arith.muli %mul3A_21, %select_n3A : i32
    %jit3A_23 = arith.constant 2 : i32
    %eq3A = arith.constant 0 : i32
    %eq3A_24 = arith.cmpi eq, %jit3A_23, %eq3A : i32
    %jit3A_25 = arith.constant 1 : i32
    %select_n3A_26 = arith.select %eq3A_24, %jit3A_25, %jit3A_23 : i32
    %rem3A_27 = arith.remsi %add3A, %select_n3A_26 : i32
    %ne3A_28 = arith.constant 0 : i32
    %ne3A_29 = arith.cmpi ne, %rem3A_27, %ne3A_28 : i32
    %lt3A = arith.constant 0 : i32
    %lt3A_30 = arith.cmpi slt, %rem3A_27, %lt3A : i32
    %lt3A_31 = arith.constant 0 : i32
    %lt3A_32 = arith.cmpi slt, %select_n3A_26, %lt3A_31 : i32
    %ne3A_33 = arith.xori %lt3A_30, %lt3A_32 : i1
    %and3A_34 = arith.andi %ne3A_33, %ne3A_29 : i1
    %add3A_35 = arith.addi %rem3A_27, %select_n3A_26 : i32
    %select_n3A_36 = arith.select %and3A_34, %add3A_35, %rem3A_27 : i32
    %mul3A_37 = arith.constant 64 : i32
    %mul3A_38 = arith.muli %mul3A_37, %select_n3A_36 : i32
    %dma_wait3A = arith.constant 0 : i32
    %dma_wait3A_39 = arith.constant 0 : i32
    %dma_wait3A_40 = tpu.memref_slice %arg3[%dma_wait3A, %dma_wait3A_39] : memref<100000x64xf32, #tpu.memory_space<hbm>> -> memref<100000x64xf32, #tpu.memory_space<hbm>>
    tpu.wait_indirect_dma semaphore(%arg7 : memref<!tpu.dma_semaphore, #tpu.memory_space<semaphore_mem>>) src(%dma_wait3A_40 : memref<100000x64xf32, #tpu.memory_space<hbm>>) dst(%arg6 : memref<512x64xf32, #tpu.memory_space<vmem>>)
    "tpu.region"() ({
      %run_scoped3A = tpu.sem_alloc : memref<!tpu.dma_semaphore, #tpu.memory_space<semaphore_mem>>
      %dma_start3A_41 = tpu.memref_slice %arg4[%mul3A_22, %mul3A_38] : memref<8192x128xf32, #tpu.memory_space<hbm>> -> memref<512x64xf32, #tpu.memory_space<hbm>>
      %dma_start3A_42 = tpu.memref_slice %arg4[%mul3A_22, %mul3A_38] : memref<8192x128xf32, #tpu.memory_space<hbm>> -> memref<512x64xf32, #tpu.memory_space<hbm>>
      tpu.enqueue_dma source(%arg6 : memref<512x64xf32, #tpu.memory_space<vmem>>) target(%dma_start3A_42 : memref<512x64xf32, #tpu.memory_space<hbm>>) target_semaphore(%run_scoped3A : memref<!tpu.dma_semaphore, #tpu.memory_space<semaphore_mem>>)
      %dma_wait3A_43 = tpu.memref_slice %arg4[%mul3A_22, %mul3A_38] : memref<8192x128xf32, #tpu.memory_space<hbm>> -> memref<512x64xf32, #tpu.memory_space<hbm>>
      %dma_wait3A_44 = tpu.memref_slice %arg4[%mul3A_22, %mul3A_38] : memref<8192x128xf32, #tpu.memory_space<hbm>> -> memref<512x64xf32, #tpu.memory_space<hbm>>
      tpu.wait_dma2 semaphore(%run_scoped3A : memref<!tpu.dma_semaphore, #tpu.memory_space<semaphore_mem>>) src(%arg6 : memref<512x64xf32, #tpu.memory_space<vmem>>) dst(%dma_wait3A_44 : memref<512x64xf32, #tpu.memory_space<hbm>>)
      tpu.yield
    }) : () -> ()
    return
  }
}

#map = affine_map<(d0, d1) -> (0)>
#map1 = affine_map<(d0, d1) -> (0, 0)>
module attributes {stable_mosaic.version = 14 : i64} {
  func.func @_sc_gather_body(%arg0: i32, %arg1: i32, %arg2: memref<16384xi32, #tpu.memory_space<hbm>>, %arg3: memref<100000x64xf32, #tpu.memory_space<hbm>>, %arg4: memref<8192x128xf32, #tpu.memory_space<hbm>>, %arg5: memref<512xi32, #tpu.memory_space<vmem>>, %arg6: memref<512x64xf32, #tpu.memory_space<vmem>>, %arg7: memref<!tpu.dma_semaphore, #tpu.memory_space<semaphore_mem>>) attributes {dimension_semantics = [#tpu.dimension_semantics<core_parallel>, #tpu.dimension_semantics<subcore_parallel>], iteration_bounds = array<i64: 2, 16>, scalar_prefetch = 0 : i64, scratch_operands = 3 : i64, tpu.core_type = #tpu.core_type<sc_vector_subcore>, window_params = [{transform_indices = #map}, {transform_indices = #map1}, {transform_indices = #map1}]} {
    %mul3A = arith.constant 2 : i32
    %mul3A_0 = arith.muli %arg1, %mul3A : i32
    %add3A = arith.addi %mul3A_0, %arg0 : i32
    %mul3A_1 = arith.constant 512 : i32
    %mul3A_2 = arith.muli %add3A, %mul3A_1 : i32
    "tpu.region"() ({
      %run_scoped3A = tpu.sem_alloc : memref<!tpu.dma_semaphore, #tpu.memory_space<semaphore_mem>>
      %dma_start3A_41 = tpu.memref_slice %arg2[%mul3A_2] : memref<16384xi32, #tpu.memory_space<hbm>> -> memref<512xi32, #tpu.memory_space<hbm>>
      %dma_start3A_42 = tpu.memref_slice %arg2[%mul3A_2] : memref<16384xi32, #tpu.memory_space<hbm>> -> memref<512xi32, #tpu.memory_space<hbm>>
      tpu.enqueue_dma source(%dma_start3A_42 : memref<512xi32, #tpu.memory_space<hbm>>) target(%arg5 : memref<512xi32, #tpu.memory_space<vmem>>) target_semaphore(%run_scoped3A : memref<!tpu.dma_semaphore, #tpu.memory_space<semaphore_mem>>)
      %dma_wait3A_43 = tpu.memref_slice %arg2[%mul3A_2] : memref<16384xi32, #tpu.memory_space<hbm>> -> memref<512xi32, #tpu.memory_space<hbm>>
      %dma_wait3A_44 = tpu.memref_slice %arg2[%mul3A_2] : memref<16384xi32, #tpu.memory_space<hbm>> -> memref<512xi32, #tpu.memory_space<hbm>>
      tpu.wait_dma2 semaphore(%run_scoped3A : memref<!tpu.dma_semaphore, #tpu.memory_space<semaphore_mem>>) src(%dma_wait3A_44 : memref<512xi32, #tpu.memory_space<hbm>>) dst(%arg5 : memref<512xi32, #tpu.memory_space<vmem>>)
      tpu.yield
    }) : () -> ()
    %dma_start3A = arith.constant 0 : i32
    %dma_start3A_3 = arith.constant 0 : i32
    %dma_start3A_4 = tpu.memref_slice %arg3[%dma_start3A, %dma_start3A_3] : memref<100000x64xf32, #tpu.memory_space<hbm>> -> memref<100000x64xf32, #tpu.memory_space<hbm>>
    tpu.enqueue_indirect_dma source(%dma_start3A_4 : memref<100000x64xf32, #tpu.memory_space<hbm>>) target(%arg6 : memref<512x64xf32, #tpu.memory_space<vmem>>) offsets(%arg5 : memref<512xi32, #tpu.memory_space<vmem>>) semaphore(%arg7 : memref<!tpu.dma_semaphore, #tpu.memory_space<semaphore_mem>>)
    %jit3A = arith.constant 2 : i32
    %div3A = arith.divsi %add3A, %jit3A : i32
    %sign3A = arith.constant 0 : i32
    %sign3A_5 = arith.cmpi sgt, %add3A, %sign3A : i32
    %sign3A_6 = arith.extui %sign3A_5 : i1 to i32
    %sign3A_7 = arith.constant 0 : i32
    %sign3A_8 = arith.cmpi slt, %add3A, %sign3A_7 : i32
    %sign3A_9 = arith.extui %sign3A_8 : i1 to i32
    %sign3A_10 = arith.subi %sign3A_6, %sign3A_9 : i32
    %sign3A_11 = arith.constant 0 : i32
    %sign3A_12 = arith.cmpi sgt, %jit3A, %sign3A_11 : i32
    %sign3A_13 = arith.extui %sign3A_12 : i1 to i32
    %sign3A_14 = arith.constant 0 : i32
    %sign3A_15 = arith.cmpi slt, %jit3A, %sign3A_14 : i32
    %sign3A_16 = arith.extui %sign3A_15 : i1 to i32
    %sign3A_17 = arith.subi %sign3A_13, %sign3A_16 : i32
    %ne3A = arith.cmpi ne, %sign3A_10, %sign3A_17 : i32
    %rem3A = arith.remsi %add3A, %jit3A : i32
    %ne3A_18 = arith.constant 0 : i32
    %ne3A_19 = arith.cmpi ne, %rem3A, %ne3A_18 : i32
    %and3A = arith.andi %ne3A, %ne3A_19 : i1
    %sub3A = arith.constant 1 : i32
    %sub3A_20 = arith.subi %div3A, %sub3A : i32
    %select_n3A = arith.select %and3A, %sub3A_20, %div3A : i32
    %mul3A_21 = arith.constant 512 : i32
    %mul3A_22 = arith.muli %mul3A_21, %select_n3A : i32
    %jit3A_23 = arith.constant 2 : i32
    %eq3A = arith.constant 0 : i32
    %eq3A_24 = arith.cmpi eq, %jit3A_23, %eq3A : i32
    %jit3A_25 = arith.constant 1 : i32
    %select_n3A_26 = arith.select %eq3A_24, %jit3A_25, %jit3A_23 : i32
    %rem3A_27 = arith.remsi %add3A, %select_n3A_26 : i32
    %ne3A_28 = arith.constant 0 : i32
    %ne3A_29 = arith.cmpi ne, %rem3A_27, %ne3A_28 : i32
    %lt3A = arith.constant 0 : i32
    %lt3A_30 = arith.cmpi slt, %rem3A_27, %lt3A : i32
    %lt3A_31 = arith.constant 0 : i32
    %lt3A_32 = arith.cmpi slt, %select_n3A_26, %lt3A_31 : i32
    %ne3A_33 = arith.xori %lt3A_30, %lt3A_32 : i1
    %and3A_34 = arith.andi %ne3A_33, %ne3A_29 : i1
    %add3A_35 = arith.addi %rem3A_27, %select_n3A_26 : i32
    %select_n3A_36 = arith.select %and3A_34, %add3A_35, %rem3A_27 : i32
    %mul3A_37 = arith.constant 64 : i32
    %mul3A_38 = arith.muli %mul3A_37, %select_n3A_36 : i32
    %dma_wait3A = arith.constant 0 : i32
    %dma_wait3A_39 = arith.constant 0 : i32
    %dma_wait3A_40 = tpu.memref_slice %arg3[%dma_wait3A, %dma_wait3A_39] : memref<100000x64xf32, #tpu.memory_space<hbm>> -> memref<100000x64xf32, #tpu.memory_space<hbm>>
    tpu.wait_indirect_dma semaphore(%arg7 : memref<!tpu.dma_semaphore, #tpu.memory_space<semaphore_mem>>) src(%dma_wait3A_40 : memref<100000x64xf32, #tpu.memory_space<hbm>>) dst(%arg6 : memref<512x64xf32, #tpu.memory_space<vmem>>)
    "tpu.region"() ({
      %run_scoped3A = tpu.sem_alloc : memref<!tpu.dma_semaphore, #tpu.memory_space<semaphore_mem>>
      %dma_start3A_41 = tpu.memref_slice %arg4[%mul3A_22, %mul3A_38] : memref<8192x128xf32, #tpu.memory_space<hbm>> -> memref<512x64xf32, #tpu.memory_space<hbm>>
      %dma_start3A_42 = tpu.memref_slice %arg4[%mul3A_22, %mul3A_38] : memref<8192x128xf32, #tpu.memory_space<hbm>> -> memref<512x64xf32, #tpu.memory_space<hbm>>
      tpu.enqueue_dma source(%arg6 : memref<512x64xf32, #tpu.memory_space<vmem>>) target(%dma_start3A_42 : memref<512x64xf32, #tpu.memory_space<hbm>>) target_semaphore(%run_scoped3A : memref<!tpu.dma_semaphore, #tpu.memory_space<semaphore_mem>>)
      %dma_wait3A_43 = tpu.memref_slice %arg4[%mul3A_22, %mul3A_38] : memref<8192x128xf32, #tpu.memory_space<hbm>> -> memref<512x64xf32, #tpu.memory_space<hbm>>
      %dma_wait3A_44 = tpu.memref_slice %arg4[%mul3A_22, %mul3A_38] : memref<8192x128xf32, #tpu.memory_space<hbm>> -> memref<512x64xf32, #tpu.memory_space<hbm>>
      tpu.wait_dma2 semaphore(%run_scoped3A : memref<!tpu.dma_semaphore, #tpu.memory_space<semaphore_mem>>) src(%arg6 : memref<512x64xf32, #tpu.memory_space<vmem>>) dst(%dma_wait3A_44 : memref<512x64xf32, #tpu.memory_space<hbm>>)
      tpu.yield
    }) : () -> ()
    return
  }
}

module attributes {stable_mosaic.version = 14 : i64} {
  func.func @_mlp_body(%arg0: i32, %arg1: memref<2048x128xf32, #tpu.memory_space<vmem>>, %arg2: memref<2048x128xf32, #tpu.memory_space<vmem>>, %arg3: memref<64x64xf32, #tpu.memory_space<vmem>>, %arg4: memref<64x64xf32, #tpu.memory_space<vmem>>, %arg5: memref<1x64xf32, #tpu.memory_space<vmem>>, %arg6: memref<1x64xf32, #tpu.memory_space<vmem>>, %arg7: memref<1x4096xf32, #tpu.memory_space<vmem>>, %arg8: memref<8x32x8x128xf32, #tpu.memory_space<vmem>>, %arg9: memref<8x32x8x128xf32, #tpu.memory_space<vmem>>) attributes {dimension_semantics = [#tpu.dimension_semantics<arbitrary>], iteration_bounds = array<i64: 4>, scalar_prefetch = 0 : i64, scratch_operands = 0 : i64, tpu.core_type = #tpu.core_type<tc>, window_params = [{transform_indices = @transform_0, window_bounds = array<i64: 2048, 128>}, {transform_indices = @transform_1, window_bounds = array<i64: 2048, 128>}, {pipeline_mode = #tpu.pipeline_mode<synchronous>, transform_indices = @transform_2, window_bounds = array<i64: 64, 64>}, {pipeline_mode = #tpu.pipeline_mode<synchronous>, transform_indices = @transform_3, window_bounds = array<i64: 64, 64>}, {pipeline_mode = #tpu.pipeline_mode<synchronous>, transform_indices = @transform_4, window_bounds = array<i64: 1, 64>}, {pipeline_mode = #tpu.pipeline_mode<synchronous>, transform_indices = @transform_5, window_bounds = array<i64: 1, 64>}, {transform_indices = @transform_6, window_bounds = array<i64: 1, 4096>}, {transform_indices = @transform_7, window_bounds = array<i64: 8, 32, 8, 128>}, {transform_indices = @transform_8, window_bounds = array<i64: 8, 32, 8, 128>}]} {
    %get3A = arith.constant 0 : index
    %get3A_0 = arith.constant 0 : index
    %get3A_1 = vector.load %arg3[%get3A, %get3A_0] : memref<64x64xf32, #tpu.memory_space<vmem>>, vector<64x64xf32>
    %get3A_2 = arith.constant 0 : index
    %get3A_3 = arith.constant 0 : index
    %get3A_4 = vector.load %arg4[%get3A_2, %get3A_3] : memref<64x64xf32, #tpu.memory_space<vmem>>, vector<64x64xf32>
    %get3A_5 = arith.constant 0 : index
    %get3A_6 = arith.constant 0 : index
    %get3A_7 = vector.load %arg5[%get3A_5, %get3A_6] : memref<1x64xf32, #tpu.memory_space<vmem>>, vector<1x64xf32>
    %get3A_8 = arith.constant 0 : index
    %get3A_9 = arith.constant 0 : index
    %get3A_10 = vector.load %arg6[%get3A_8, %get3A_9] : memref<1x64xf32, #tpu.memory_space<vmem>>, vector<1x64xf32>
    %get3A_11 = arith.constant 0 : index
    %get3A_12 = arith.constant 0 : index
    %get3A_13 = vector.load %arg1[%get3A_11, %get3A_12] : memref<2048x128xf32, #tpu.memory_space<vmem>>, vector<2048x128xf32>
    %get3A_14 = arith.constant 0 : index
    %get3A_15 = arith.constant 0 : index
    %get3A_16 = vector.load %arg2[%get3A_14, %get3A_15] : memref<2048x128xf32, #tpu.memory_space<vmem>>, vector<2048x128xf32>
    %slice3A = vector.extract_strided_slice %get3A_13 {offsets = [0, 0], sizes = [2048, 64], strides = [1, 1]} : vector<2048x128xf32> to vector<2048x64xf32>
    %slice3A_17 = vector.extract_strided_slice %get3A_16 {offsets = [0, 0], sizes = [2048, 64], strides = [1, 1]} : vector<2048x128xf32> to vector<2048x64xf32>
    %dot_general3A = arith.constant dense<0.000000e+00> : vector<2048x64xf32>
    %dot_general3A_18 = tpu.matmul %slice3A, %get3A_1, %dot_general3A {dimension_numbers = #tpu.dot_dimension_numbers<[1], [1], [0], [0], [0, 0, 1, 0], [], []>, transpose_lhs_hint = false} : vector<2048x64xf32>, vector<64x64xf32>, vector<2048x64xf32> -> vector<2048x64xf32>
    %dot_general3A_19 = arith.constant dense<0.000000e+00> : vector<2048x64xf32>
    %dot_general3A_20 = tpu.matmul %slice3A_17, %get3A_4, %dot_general3A_19 {dimension_numbers = #tpu.dot_dimension_numbers<[1], [1], [0], [0], [0, 0, 1, 0], [], []>, transpose_lhs_hint = false} : vector<2048x64xf32>, vector<64x64xf32>, vector<2048x64xf32> -> vector<2048x64xf32>
    %add3A = arith.addf %dot_general3A_18, %dot_general3A_20 : vector<2048x64xf32>
    %add3A_21 = vector.broadcast %get3A_7 : vector<1x64xf32> to vector<2048x64xf32>
    %add3A_22 = arith.addf %add3A, %add3A_21 : vector<2048x64xf32>
    %max3A = arith.constant 0.000000e+00 : f32
    %max3A_23 = vector.broadcast %max3A : f32 to vector<2048x64xf32>
    %max3A_24 = arith.maximumf %add3A_22, %max3A_23 : vector<2048x64xf32>
    %mul3A = vector.broadcast %get3A_10 : vector<1x64xf32> to vector<2048x64xf32>
    %mul3A_25 = arith.mulf %max3A_24, %mul3A : vector<2048x64xf32>
    %reduce_sum3A = arith.constant dense<0.000000e+00> : vector<2048xf32>
    %reduce_sum3A_26 = vector.multi_reduction <add>, %mul3A_25, %reduce_sum3A [1] : vector<2048x64xf32> to vector<2048xf32>
    %logistic3A = arith.negf %reduce_sum3A_26 : vector<2048xf32>
    %logistic3A_27 = math.exp %logistic3A : vector<2048xf32>
    %logistic3A_28 = arith.constant 1.000000e+00 : f32
    %logistic3A_29 = vector.broadcast %logistic3A_28 : f32 to vector<2048xf32>
    %logistic3A_30 = arith.addf %logistic3A_29, %logistic3A_27 : vector<2048xf32>
    %logistic3A_31 = arith.divf %logistic3A_29, %logistic3A_30 : vector<2048xf32>
    %slice3A_32 = vector.extract_strided_slice %logistic3A_31 {offsets = [0], sizes = [512], strides = [1]} : vector<2048xf32> to vector<512xf32>
    %swap3A = arith.constant 0 : index
    %swap3A_33 = arith.constant 0 : index
    %swap3A_34 = vector.load %arg7[%swap3A, %swap3A_33] : memref<1x4096xf32, #tpu.memory_space<vmem>>, vector<1x512xf32>
    %swap3A_35 = vector.shape_cast %swap3A_34 : vector<1x512xf32> to vector<512xf32>
    %swap3A_36 = vector.shape_cast %slice3A_32 : vector<512xf32> to vector<1x512xf32>
    tpu.vector_store %arg7[%swap3A, %swap3A_33], %swap3A_36 {strides = array<i32>} : memref<1x4096xf32, #tpu.memory_space<vmem>>, vector<1x512xf32>,
    %slice3A_37 = vector.extract_strided_slice %logistic3A_31 {offsets = [512], sizes = [512], strides = [1]} : vector<2048xf32> to vector<512xf32>
    %swap3A_38 = arith.constant 0 : index
    %swap3A_39 = arith.constant 1024 : index
    %swap3A_40 = vector.load %arg7[%swap3A_38, %swap3A_39] : memref<1x4096xf32, #tpu.memory_space<vmem>>, vector<1x512xf32>
    %swap3A_41 = vector.shape_cast %swap3A_40 : vector<1x512xf32> to vector<512xf32>
    %swap3A_42 = vector.shape_cast %slice3A_37 : vector<512xf32> to vector<1x512xf32>
    tpu.vector_store %arg7[%swap3A_38, %swap3A_39], %swap3A_42 {strides = array<i32>} : memref<1x4096xf32, #tpu.memory_space<vmem>>, vector<1x512xf32>,
    %slice3A_43 = vector.extract_strided_slice %logistic3A_31 {offsets = [1024], sizes = [512], strides = [1]} : vector<2048xf32> to vector<512xf32>
    %swap3A_44 = arith.constant 0 : index
    %swap3A_45 = arith.constant 2048 : index
    %swap3A_46 = vector.load %arg7[%swap3A_44, %swap3A_45] : memref<1x4096xf32, #tpu.memory_space<vmem>>, vector<1x512xf32>
    %swap3A_47 = vector.shape_cast %swap3A_46 : vector<1x512xf32> to vector<512xf32>
    %swap3A_48 = vector.shape_cast %slice3A_43 : vector<512xf32> to vector<1x512xf32>
    tpu.vector_store %arg7[%swap3A_44, %swap3A_45], %swap3A_48 {strides = array<i32>} : memref<1x4096xf32, #tpu.memory_space<vmem>>, vector<1x512xf32>,
    %slice3A_49 = vector.extract_strided_slice %logistic3A_31 {offsets = [1536], sizes = [512], strides = [1]} : vector<2048xf32> to vector<512xf32>
    %swap3A_50 = arith.constant 0 : index
    %swap3A_51 = arith.constant 3072 : index
    %swap3A_52 = vector.load %arg7[%swap3A_50, %swap3A_51] : memref<1x4096xf32, #tpu.memory_space<vmem>>, vector<1x512xf32>
    %swap3A_53 = vector.shape_cast %swap3A_52 : vector<1x512xf32> to vector<512xf32>
    %swap3A_54 = vector.shape_cast %slice3A_49 : vector<512xf32> to vector<1x512xf32>
    tpu.vector_store %arg7[%swap3A_50, %swap3A_51], %swap3A_54 {strides = array<i32>} : memref<1x4096xf32, #tpu.memory_space<vmem>>, vector<1x512xf32>,
    %transpose3A = tpu.transpose %slice3A, [1, 0] : vector<2048x64xf32> -> vector<64x2048xf32>
    %transpose3A_55 = tpu.transpose %slice3A_17, [1, 0] : vector<2048x64xf32> -> vector<64x2048xf32>
    %slice3A_56 = vector.extract_strided_slice %transpose3A {offsets = [0, 0], sizes = [64, 128], strides = [1, 1]} : vector<64x2048xf32> to vector<64x128xf32>
    %reshape3A = vector.shape_cast %slice3A_56 : vector<64x128xf32> to vector<8x8x128xf32>
    %swap3A_57 = arith.constant 0 : index
    %swap3A_58 = arith.constant 0 : index
    %swap3A_59 = arith.constant 0 : index
    %swap3A_60 = arith.constant 0 : index
    %swap3A_61 = vector.load %arg8[%swap3A_57, %swap3A_58, %swap3A_59, %swap3A_60] : memref<8x32x8x128xf32, #tpu.memory_space<vmem>>, vector<8x1x8x128xf32>
    %swap3A_62 = vector.shape_cast %swap3A_61 : vector<8x1x8x128xf32> to vector<8x8x128xf32>
    %swap3A_63 = vector.shape_cast %reshape3A : vector<8x8x128xf32> to vector<8x1x8x128xf32>
    tpu.vector_store %arg8[%swap3A_57, %swap3A_58, %swap3A_59, %swap3A_60], %swap3A_63 {strides = array<i32>} : memref<8x32x8x128xf32, #tpu.memory_space<vmem>>, vector<8x1x8x128xf32>,
    %slice3A_64 = vector.extract_strided_slice %transpose3A_55 {offsets = [0, 0], sizes = [64, 128], strides = [1, 1]} : vector<64x2048xf32> to vector<64x128xf32>
    %reshape3A_65 = vector.shape_cast %slice3A_64 : vector<64x128xf32> to vector<8x8x128xf32>
    %swap3A_66 = arith.constant 0 : index
    %swap3A_67 = arith.constant 0 : index
    %swap3A_68 = arith.constant 0 : index
    %swap3A_69 = arith.constant 0 : index
    %swap3A_70 = vector.load %arg9[%swap3A_66, %swap3A_67, %swap3A_68, %swap3A_69] : memref<8x32x8x128xf32, #tpu.memory_space<vmem>>, vector<8x1x8x128xf32>
    %swap3A_71 = vector.shape_cast %swap3A_70 : vector<8x1x8x128xf32> to vector<8x8x128xf32>
    %swap3A_72 = vector.shape_cast %reshape3A_65 : vector<8x8x128xf32> to vector<8x1x8x128xf32>
    tpu.vector_store %arg9[%swap3A_66, %swap3A_67, %swap3A_68, %swap3A_69], %swap3A_72 {strides = array<i32>} : memref<8x32x8x128xf32, #tpu.memory_space<vmem>>, vector<8x1x8x128xf32>,
    %slice3A_73 = vector.extract_strided_slice %transpose3A {offsets = [0, 128], sizes = [64, 128], strides = [1, 1]} : vector<64x2048xf32> to vector<64x128xf32>
    %reshape3A_74 = vector.shape_cast %slice3A_73 : vector<64x128xf32> to vector<8x8x128xf32>
    %swap3A_75 = arith.constant 0 : index
    %swap3A_76 = arith.constant 1 : index
    %swap3A_77 = arith.constant 0 : index
    %swap3A_78 = arith.constant 0 : index
    %swap3A_79 = vector.load %arg8[%swap3A_75, %swap3A_76, %swap3A_77, %swap3A_78] : memref<8x32x8x128xf32, #tpu.memory_space<vmem>>, vector<8x1x8x128xf32>
    %swap3A_80 = vector.shape_cast %swap3A_79 : vector<8x1x8x128xf32> to vector<8x8x128xf32>
    %swap3A_81 = vector.shape_cast %reshape3A_74 : vector<8x8x128xf32> to vector<8x1x8x128xf32>
    tpu.vector_store %arg8[%swap3A_75, %swap3A_76, %swap3A_77, %swap3A_78], %swap3A_81 {strides = array<i32>} : memref<8x32x8x128xf32, #tpu.memory_space<vmem>>, vector<8x1x8x128xf32>,
    %slice3A_82 = vector.extract_strided_slice %transpose3A_55 {offsets = [0, 128], sizes = [64, 128], strides = [1, 1]} : vector<64x2048xf32> to vector<64x128xf32>
    %reshape3A_83 = vector.shape_cast %slice3A_82 : vector<64x128xf32> to vector<8x8x128xf32>
    %swap3A_84 = arith.constant 0 : index
    %swap3A_85 = arith.constant 1 : index
    %swap3A_86 = arith.constant 0 : index
    %swap3A_87 = arith.constant 0 : index
    %swap3A_88 = vector.load %arg9[%swap3A_84, %swap3A_85, %swap3A_86, %swap3A_87] : memref<8x32x8x128xf32, #tpu.memory_space<vmem>>, vector<8x1x8x128xf32>
    %swap3A_89 = vector.shape_cast %swap3A_88 : vector<8x1x8x128xf32> to vector<8x8x128xf32>
    %swap3A_90 = vector.shape_cast %reshape3A_83 : vector<8x8x128xf32> to vector<8x1x8x128xf32>
    tpu.vector_store %arg9[%swap3A_84, %swap3A_85, %swap3A_86, %swap3A_87], %swap3A_90 {strides = array<i32>} : memref<8x32x8x128xf32, #tpu.memory_space<vmem>>, vector<8x1x8x128xf32>,
    %slice3A_91 = vector.extract_strided_slice %transpose3A {offsets = [0, 256], sizes = [64, 128], strides = [1, 1]} : vector<64x2048xf32> to vector<64x128xf32>
    %reshape3A_92 = vector.shape_cast %slice3A_91 : vector<64x128xf32> to vector<8x8x128xf32>
    %swap3A_93 = arith.constant 0 : index
    %swap3A_94 = arith.constant 2 : index
    %swap3A_95 = arith.constant 0 : index
    %swap3A_96 = arith.constant 0 : index
    %swap3A_97 = vector.load %arg8[%swap3A_93, %swap3A_94, %swap3A_95, %swap3A_96] : memref<8x32x8x128xf32, #tpu.memory_space<vmem>>, vector<8x1x8x128xf32>
    %swap3A_98 = vector.shape_cast %swap3A_97 : vector<8x1x8x128xf32> to vector<8x8x128xf32>
    %swap3A_99 = vector.shape_cast %reshape3A_92 : vector<8x8x128xf32> to vector<8x1x8x128xf32>
    tpu.vector_store %arg8[%swap3A_93, %swap3A_94, %swap3A_95, %swap3A_96], %swap3A_99 {strides = array<i32>} : memref<8x32x8x128xf32, #tpu.memory_space<vmem>>, vector<8x1x8x128xf32>,
    %slice3A_100 = vector.extract_strided_slice %transpose3A_55 {offsets = [0, 256], sizes = [64, 128], strides = [1, 1]} : vector<64x2048xf32> to vector<64x128xf32>
    %reshape3A_101 = vector.shape_cast %slice3A_100 : vector<64x128xf32> to vector<8x8x128xf32>
    %swap3A_102 = arith.constant 0 : index
    %swap3A_103 = arith.constant 2 : index
    %swap3A_104 = arith.constant 0 : index
    %swap3A_105 = arith.constant 0 : index
    %swap3A_106 = vector.load %arg9[%swap3A_102, %swap3A_103, %swap3A_104, %swap3A_105] : memref<8x32x8x128xf32, #tpu.memory_space<vmem>>, vector<8x1x8x128xf32>
    %swap3A_107 = vector.shape_cast %swap3A_106 : vector<8x1x8x128xf32> to vector<8x8x128xf32>
    %swap3A_108 = vector.shape_cast %reshape3A_101 : vector<8x8x128xf32> to vector<8x1x8x128xf32>
    tpu.vector_store %arg9[%swap3A_102, %swap3A_103, %swap3A_104, %swap3A_105], %swap3A_108 {strides = array<i32>} : memref<8x32x8x128xf32, #tpu.memory_space<vmem>>, vector<8x1x8x128xf32>,
    %slice3A_109 = vector.extract_strided_slice %transpose3A {offsets = [0, 384], sizes = [64, 128], strides = [1, 1]} : vector<64x2048xf32> to vector<64x128xf32>
    %reshape3A_110 = vector.shape_cast %slice3A_109 : vector<64x128xf32> to vector<8x8x128xf32>
    %swap3A_111 = arith.constant 0 : index
    %swap3A_112 = arith.constant 3 : index
    %swap3A_113 = arith.constant 0 : index
    %swap3A_114 = arith.constant 0 : index
    %swap3A_115 = vector.load %arg8[%swap3A_111, %swap3A_112, %swap3A_113, %swap3A_114] : memref<8x32x8x128xf32, #tpu.memory_space<vmem>>, vector<8x1x8x128xf32>
    %swap3A_116 = vector.shape_cast %swap3A_115 : vector<8x1x8x128xf32> to vector<8x8x128xf32>
    %swap3A_117 = vector.shape_cast %reshape3A_110 : vector<8x8x128xf32> to vector<8x1x8x128xf32>
    tpu.vector_store %arg8[%swap3A_111, %swap3A_112, %swap3A_113, %swap3A_114], %swap3A_117 {strides = array<i32>} : memref<8x32x8x128xf32, #tpu.memory_space<vmem>>, vector<8x1x8x128xf32>,
    %slice3A_118 = vector.extract_strided_slice %transpose3A_55 {offsets = [0, 384], sizes = [64, 128], strides = [1, 1]} : vector<64x2048xf32> to vector<64x128xf32>
    %reshape3A_119 = vector.shape_cast %slice3A_118 : vector<64x128xf32> to vector<8x8x128xf32>
    %swap3A_120 = arith.constant 0 : index
    %swap3A_121 = arith.constant 3 : index
    %swap3A_122 = arith.constant 0 : index
    %swap3A_123 = arith.constant 0 : index
    %swap3A_124 = vector.load %arg9[%swap3A_120, %swap3A_121, %swap3A_122, %swap3A_123] : memref<8x32x8x128xf32, #tpu.memory_space<vmem>>, vector<8x1x8x128xf32>
    %swap3A_125 = vector.shape_cast %swap3A_124 : vector<8x1x8x128xf32> to vector<8x8x128xf32>
    %swap3A_126 = vector.shape_cast %reshape3A_119 : vector<8x8x128xf32> to vector<8x1x8x128xf32>
    tpu.vector_store %arg9[%swap3A_120, %swap3A_121, %swap3A_122, %swap3A_123], %swap3A_126 {strides = array<i32>} : memref<8x32x8x128xf32, #tpu.memory_space<vmem>>, vector<8x1x8x128xf32>,
    %slice3A_127 = vector.extract_strided_slice %transpose3A {offsets = [0, 512], sizes = [64, 128], strides = [1, 1]} : vector<64x2048xf32> to vector<64x128xf32>
    %reshape3A_128 = vector.shape_cast %slice3A_127 : vector<64x128xf32> to vector<8x8x128xf32>
    %swap3A_129 = arith.constant 0 : index
    %swap3A_130 = arith.constant 8 : index
    %swap3A_131 = arith.constant 0 : index
    %swap3A_132 = arith.constant 0 : index
    %swap3A_133 = vector.load %arg8[%swap3A_129, %swap3A_130, %swap3A_131, %swap3A_132] : memref<8x32x8x128xf32, #tpu.memory_space<vmem>>, vector<8x1x8x128xf32>
    %swap3A_134 = vector.shape_cast %swap3A_133 : vector<8x1x8x128xf32> to vector<8x8x128xf32>
    %swap3A_135 = vector.shape_cast %reshape3A_128 : vector<8x8x128xf32> to vector<8x1x8x128xf32>
    tpu.vector_store %arg8[%swap3A_129, %swap3A_130, %swap3A_131, %swap3A_132], %swap3A_135 {strides = array<i32>} : memref<8x32x8x128xf32, #tpu.memory_space<vmem>>, vector<8x1x8x128xf32>,
    %slice3A_136 = vector.extract_strided_slice %transpose3A_55 {offsets = [0, 512], sizes = [64, 128], strides = [1, 1]} : vector<64x2048xf32> to vector<64x128xf32>
    %reshape3A_137 = vector.shape_cast %slice3A_136 : vector<64x128xf32> to vector<8x8x128xf32>
    %swap3A_138 = arith.constant 0 : index
    %swap3A_139 = arith.constant 8 : index
    %swap3A_140 = arith.constant 0 : index
    %swap3A_141 = arith.constant 0 : index
    %swap3A_142 = vector.load %arg9[%swap3A_138, %swap3A_139, %swap3A_140, %swap3A_141] : memref<8x32x8x128xf32, #tpu.memory_space<vmem>>, vector<8x1x8x128xf32>
    %swap3A_143 = vector.shape_cast %swap3A_142 : vector<8x1x8x128xf32> to vector<8x8x128xf32>
    %swap3A_144 = vector.shape_cast %reshape3A_137 : vector<8x8x128xf32> to vector<8x1x8x128xf32>
    tpu.vector_store %arg9[%swap3A_138, %swap3A_139, %swap3A_140, %swap3A_141], %swap3A_144 {strides = array<i32>} : memref<8x32x8x128xf32, #tpu.memory_space<vmem>>, vector<8x1x8x128xf32>,
    %slice3A_145 = vector.extract_strided_slice %transpose3A {offsets = [0, 640], sizes = [64, 128], strides = [1, 1]} : vector<64x2048xf32> to vector<64x128xf32>
    %reshape3A_146 = vector.shape_cast %slice3A_145 : vector<64x128xf32> to vector<8x8x128xf32>
    %swap3A_147 = arith.constant 0 : index
    %swap3A_148 = arith.constant 9 : index
    %swap3A_149 = arith.constant 0 : index
    %swap3A_150 = arith.constant 0 : index
    %swap3A_151 = vector.load %arg8[%swap3A_147, %swap3A_148, %swap3A_149, %swap3A_150] : memref<8x32x8x128xf32, #tpu.memory_space<vmem>>, vector<8x1x8x128xf32>
    %swap3A_152 = vector.shape_cast %swap3A_151 : vector<8x1x8x128xf32> to vector<8x8x128xf32>
    %swap3A_153 = vector.shape_cast %reshape3A_146 : vector<8x8x128xf32> to vector<8x1x8x128xf32>
    tpu.vector_store %arg8[%swap3A_147, %swap3A_148, %swap3A_149, %swap3A_150], %swap3A_153 {strides = array<i32>} : memref<8x32x8x128xf32, #tpu.memory_space<vmem>>, vector<8x1x8x128xf32>,
    %slice3A_154 = vector.extract_strided_slice %transpose3A_55 {offsets = [0, 640], sizes = [64, 128], strides = [1, 1]} : vector<64x2048xf32> to vector<64x128xf32>
    %reshape3A_155 = vector.shape_cast %slice3A_154 : vector<64x128xf32> to vector<8x8x128xf32>
    %swap3A_156 = arith.constant 0 : index
    %swap3A_157 = arith.constant 9 : index
    %swap3A_158 = arith.constant 0 : index
    %swap3A_159 = arith.constant 0 : index
    %swap3A_160 = vector.load %arg9[%swap3A_156, %swap3A_157, %swap3A_158, %swap3A_159] : memref<8x32x8x128xf32, #tpu.memory_space<vmem>>, vector<8x1x8x128xf32>
    %swap3A_161 = vector.shape_cast %swap3A_160 : vector<8x1x8x128xf32> to vector<8x8x128xf32>
    %swap3A_162 = vector.shape_cast %reshape3A_155 : vector<8x8x128xf32> to vector<8x1x8x128xf32>
    tpu.vector_store %arg9[%swap3A_156, %swap3A_157, %swap3A_158, %swap3A_159], %swap3A_162 {strides = array<i32>} : memref<8x32x8x128xf32, #tpu.memory_space<vmem>>, vector<8x1x8x128xf32>,
    %slice3A_163 = vector.extract_strided_slice %transpose3A {offsets = [0, 768], sizes = [64, 128], strides = [1, 1]} : vector<64x2048xf32> to vector<64x128xf32>
    %reshape3A_164 = vector.shape_cast %slice3A_163 : vector<64x128xf32> to vector<8x8x128xf32>
    %swap3A_165 = arith.constant 0 : index
    %swap3A_166 = arith.constant 10 : index
    %swap3A_167 = arith.constant 0 : index
    %swap3A_168 = arith.constant 0 : index
    %swap3A_169 = vector.load %arg8[%swap3A_165, %swap3A_166, %swap3A_167, %swap3A_168] : memref<8x32x8x128xf32, #tpu.memory_space<vmem>>, vector<8x1x8x128xf32>
    %swap3A_170 = vector.shape_cast %swap3A_169 : vector<8x1x8x128xf32> to vector<8x8x128xf32>
    %swap3A_171 = vector.shape_cast %reshape3A_164 : vector<8x8x128xf32> to vector<8x1x8x128xf32>
    tpu.vector_store %arg8[%swap3A_165, %swap3A_166, %swap3A_167, %swap3A_168], %swap3A_171 {strides = array<i32>} : memref<8x32x8x128xf32, #tpu.memory_space<vmem>>, vector<8x1x8x128xf32>,
    %slice3A_172 = vector.extract_strided_slice %transpose3A_55 {offsets = [0, 768], sizes = [64, 128], strides = [1, 1]} : vector<64x2048xf32> to vector<64x128xf32>
    %reshape3A_173 = vector.shape_cast %slice3A_172 : vector<64x128xf32> to vector<8x8x128xf32>
    %swap3A_174 = arith.constant 0 : index
    %swap3A_175 = arith.constant 10 : index
    %swap3A_176 = arith.constant 0 : index
    %swap3A_177 = arith.constant 0 : index
    %swap3A_178 = vector.load %arg9[%swap3A_174, %swap3A_175, %swap3A_176, %swap3A_177] : memref<8x32x8x128xf32, #tpu.memory_space<vmem>>, vector<8x1x8x128xf32>
    %swap3A_179 = vector.shape_cast %swap3A_178 : vector<8x1x8x128xf32> to vector<8x8x128xf32>
    %swap3A_180 = vector.shape_cast %reshape3A_173 : vector<8x8x128xf32> to vector<8x1x8x128xf32>
    tpu.vector_store %arg9[%swap3A_174, %swap3A_175, %swap3A_176, %swap3A_177], %swap3A_180 {strides = array<i32>} : memref<8x32x8x128xf32, #tpu.memory_space<vmem>>, vector<8x1x8x128xf32>,
    %slice3A_181 = vector.extract_strided_slice %transpose3A {offsets = [0, 896], sizes = [64, 128], strides = [1, 1]} : vector<64x2048xf32> to vector<64x128xf32>
    %reshape3A_182 = vector.shape_cast %slice3A_181 : vector<64x128xf32> to vector<8x8x128xf32>
    %swap3A_183 = arith.constant 0 : index
    %swap3A_184 = arith.constant 11 : index
    %swap3A_185 = arith.constant 0 : index
    %swap3A_186 = arith.constant 0 : index
    %swap3A_187 = vector.load %arg8[%swap3A_183, %swap3A_184, %swap3A_185, %swap3A_186] : memref<8x32x8x128xf32, #tpu.memory_space<vmem>>, vector<8x1x8x128xf32>
    %swap3A_188 = vector.shape_cast %swap3A_187 : vector<8x1x8x128xf32> to vector<8x8x128xf32>
    %swap3A_189 = vector.shape_cast %reshape3A_182 : vector<8x8x128xf32> to vector<8x1x8x128xf32>
    tpu.vector_store %arg8[%swap3A_183, %swap3A_184, %swap3A_185, %swap3A_186], %swap3A_189 {strides = array<i32>} : memref<8x32x8x128xf32, #tpu.memory_space<vmem>>, vector<8x1x8x128xf32>,
    %slice3A_190 = vector.extract_strided_slice %transpose3A_55 {offsets = [0, 896], sizes = [64, 128], strides = [1, 1]} : vector<64x2048xf32> to vector<64x128xf32>
    %reshape3A_191 = vector.shape_cast %slice3A_190 : vector<64x128xf32> to vector<8x8x128xf32>
    %swap3A_192 = arith.constant 0 : index
    %swap3A_193 = arith.constant 11 : index
    %swap3A_194 = arith.constant 0 : index
    %swap3A_195 = arith.constant 0 : index
    %swap3A_196 = vector.load %arg9[%swap3A_192, %swap3A_193, %swap3A_194, %swap3A_195] : memref<8x32x8x128xf32, #tpu.memory_space<vmem>>, vector<8x1x8x128xf32>
    %swap3A_197 = vector.shape_cast %swap3A_196 : vector<8x1x8x128xf32> to vector<8x8x128xf32>
    %swap3A_198 = vector.shape_cast %reshape3A_191 : vector<8x8x128xf32> to vector<8x1x8x128xf32>
    tpu.vector_store %arg9[%swap3A_192, %swap3A_193, %swap3A_194, %swap3A_195], %swap3A_198 {strides = array<i32>} : memref<8x32x8x128xf32, #tpu.memory_space<vmem>>, vector<8x1x8x128xf32>,
    %slice3A_199 = vector.extract_strided_slice %transpose3A {offsets = [0, 1024], sizes = [64, 128], strides = [1, 1]} : vector<64x2048xf32> to vector<64x128xf32>
    %reshape3A_200 = vector.shape_cast %slice3A_199 : vector<64x128xf32> to vector<8x8x128xf32>
    %swap3A_201 = arith.constant 0 : index
    %swap3A_202 = arith.constant 16 : index
    %swap3A_203 = arith.constant 0 : index
    %swap3A_204 = arith.constant 0 : index
    %swap3A_205 = vector.load %arg8[%swap3A_201, %swap3A_202, %swap3A_203, %swap3A_204] : memref<8x32x8x128xf32, #tpu.memory_space<vmem>>, vector<8x1x8x128xf32>
    %swap3A_206 = vector.shape_cast %swap3A_205 : vector<8x1x8x128xf32> to vector<8x8x128xf32>
    %swap3A_207 = vector.shape_cast %reshape3A_200 : vector<8x8x128xf32> to vector<8x1x8x128xf32>
    tpu.vector_store %arg8[%swap3A_201, %swap3A_202, %swap3A_203, %swap3A_204], %swap3A_207 {strides = array<i32>} : memref<8x32x8x128xf32, #tpu.memory_space<vmem>>, vector<8x1x8x128xf32>,
    %slice3A_208 = vector.extract_strided_slice %transpose3A_55 {offsets = [0, 1024], sizes = [64, 128], strides = [1, 1]} : vector<64x2048xf32> to vector<64x128xf32>
    %reshape3A_209 = vector.shape_cast %slice3A_208 : vector<64x128xf32> to vector<8x8x128xf32>
    %swap3A_210 = arith.constant 0 : index
    %swap3A_211 = arith.constant 16 : index
    %swap3A_212 = arith.constant 0 : index
    %swap3A_213 = arith.constant 0 : index
    %swap3A_214 = vector.load %arg9[%swap3A_210, %swap3A_211, %swap3A_212, %swap3A_213] : memref<8x32x8x128xf32, #tpu.memory_space<vmem>>, vector<8x1x8x128xf32>
    %swap3A_215 = vector.shape_cast %swap3A_214 : vector<8x1x8x128xf32> to vector<8x8x128xf32>
    %swap3A_216 = vector.shape_cast %reshape3A_209 : vector<8x8x128xf32> to vector<8x1x8x128xf32>
    tpu.vector_store %arg9[%swap3A_210, %swap3A_211, %swap3A_212, %swap3A_213], %swap3A_216 {strides = array<i32>} : memref<8x32x8x128xf32, #tpu.memory_space<vmem>>, vector<8x1x8x128xf32>,
    %slice3A_217 = vector.extract_strided_slice %transpose3A {offsets = [0, 1152], sizes = [64, 128], strides = [1, 1]} : vector<64x2048xf32> to vector<64x128xf32>
    %reshape3A_218 = vector.shape_cast %slice3A_217 : vector<64x128xf32> to vector<8x8x128xf32>
    %swap3A_219 = arith.constant 0 : index
    %swap3A_220 = arith.constant 17 : index
    %swap3A_221 = arith.constant 0 : index
    %swap3A_222 = arith.constant 0 : index
    %swap3A_223 = vector.load %arg8[%swap3A_219, %swap3A_220, %swap3A_221, %swap3A_222] : memref<8x32x8x128xf32, #tpu.memory_space<vmem>>, vector<8x1x8x128xf32>
    %swap3A_224 = vector.shape_cast %swap3A_223 : vector<8x1x8x128xf32> to vector<8x8x128xf32>
    %swap3A_225 = vector.shape_cast %reshape3A_218 : vector<8x8x128xf32> to vector<8x1x8x128xf32>
    tpu.vector_store %arg8[%swap3A_219, %swap3A_220, %swap3A_221, %swap3A_222], %swap3A_225 {strides = array<i32>} : memref<8x32x8x128xf32, #tpu.memory_space<vmem>>, vector<8x1x8x128xf32>,
    %slice3A_226 = vector.extract_strided_slice %transpose3A_55 {offsets = [0, 1152], sizes = [64, 128], strides = [1, 1]} : vector<64x2048xf32> to vector<64x128xf32>
    %reshape3A_227 = vector.shape_cast %slice3A_226 : vector<64x128xf32> to vector<8x8x128xf32>
    %swap3A_228 = arith.constant 0 : index
    %swap3A_229 = arith.constant 17 : index
    %swap3A_230 = arith.constant 0 : index
    %swap3A_231 = arith.constant 0 : index
    %swap3A_232 = vector.load %arg9[%swap3A_228, %swap3A_229, %swap3A_230, %swap3A_231] : memref<8x32x8x128xf32, #tpu.memory_space<vmem>>, vector<8x1x8x128xf32>
    %swap3A_233 = vector.shape_cast %swap3A_232 : vector<8x1x8x128xf32> to vector<8x8x128xf32>
    %swap3A_234 = vector.shape_cast %reshape3A_227 : vector<8x8x128xf32> to vector<8x1x8x128xf32>
    tpu.vector_store %arg9[%swap3A_228, %swap3A_229, %swap3A_230, %swap3A_231], %swap3A_234 {strides = array<i32>} : memref<8x32x8x128xf32, #tpu.memory_space<vmem>>, vector<8x1x8x128xf32>,
    %slice3A_235 = vector.extract_strided_slice %transpose3A {offsets = [0, 1280], sizes = [64, 128], strides = [1, 1]} : vector<64x2048xf32> to vector<64x128xf32>
    %reshape3A_236 = vector.shape_cast %slice3A_235 : vector<64x128xf32> to vector<8x8x128xf32>
    %swap3A_237 = arith.constant 0 : index
    %swap3A_238 = arith.constant 18 : index
    %swap3A_239 = arith.constant 0 : index
    %swap3A_240 = arith.constant 0 : index
    %swap3A_241 = vector.load %arg8[%swap3A_237, %swap3A_238, %swap3A_239, %swap3A_240] : memref<8x32x8x128xf32, #tpu.memory_space<vmem>>, vector<8x1x8x128xf32>
    %swap3A_242 = vector.shape_cast %swap3A_241 : vector<8x1x8x128xf32> to vector<8x8x128xf32>
    %swap3A_243 = vector.shape_cast %reshape3A_236 : vector<8x8x128xf32> to vector<8x1x8x128xf32>
    tpu.vector_store %arg8[%swap3A_237, %swap3A_238, %swap3A_239, %swap3A_240], %swap3A_243 {strides = array<i32>} : memref<8x32x8x128xf32, #tpu.memory_space<vmem>>, vector<8x1x8x128xf32>,
    %slice3A_244 = vector.extract_strided_slice %transpose3A_55 {offsets = [0, 1280], sizes = [64, 128], strides = [1, 1]} : vector<64x2048xf32> to vector<64x128xf32>
    %reshape3A_245 = vector.shape_cast %slice3A_244 : vector<64x128xf32> to vector<8x8x128xf32>
    %swap3A_246 = arith.constant 0 : index
    %swap3A_247 = arith.constant 18 : index
    %swap3A_248 = arith.constant 0 : index
    %swap3A_249 = arith.constant 0 : index
    %swap3A_250 = vector.load %arg9[%swap3A_246, %swap3A_247, %swap3A_248, %swap3A_249] : memref<8x32x8x128xf32, #tpu.memory_space<vmem>>, vector<8x1x8x128xf32>
    %swap3A_251 = vector.shape_cast %swap3A_250 : vector<8x1x8x128xf32> to vector<8x8x128xf32>
    %swap3A_252 = vector.shape_cast %reshape3A_245 : vector<8x8x128xf32> to vector<8x1x8x128xf32>
    tpu.vector_store %arg9[%swap3A_246, %swap3A_247, %swap3A_248, %swap3A_249], %swap3A_252 {strides = array<i32>} : memref<8x32x8x128xf32, #tpu.memory_space<vmem>>, vector<8x1x8x128xf32>,
    %slice3A_253 = vector.extract_strided_slice %transpose3A {offsets = [0, 1408], sizes = [64, 128], strides = [1, 1]} : vector<64x2048xf32> to vector<64x128xf32>
    %reshape3A_254 = vector.shape_cast %slice3A_253 : vector<64x128xf32> to vector<8x8x128xf32>
    %swap3A_255 = arith.constant 0 : index
    %swap3A_256 = arith.constant 19 : index
    %swap3A_257 = arith.constant 0 : index
    %swap3A_258 = arith.constant 0 : index
    %swap3A_259 = vector.load %arg8[%swap3A_255, %swap3A_256, %swap3A_257, %swap3A_258] : memref<8x32x8x128xf32, #tpu.memory_space<vmem>>, vector<8x1x8x128xf32>
    %swap3A_260 = vector.shape_cast %swap3A_259 : vector<8x1x8x128xf32> to vector<8x8x128xf32>
    %swap3A_261 = vector.shape_cast %reshape3A_254 : vector<8x8x128xf32> to vector<8x1x8x128xf32>
    tpu.vector_store %arg8[%swap3A_255, %swap3A_256, %swap3A_257, %swap3A_258], %swap3A_261 {strides = array<i32>} : memref<8x32x8x128xf32, #tpu.memory_space<vmem>>, vector<8x1x8x128xf32>,
    %slice3A_262 = vector.extract_strided_slice %transpose3A_55 {offsets = [0, 1408], sizes = [64, 128], strides = [1, 1]} : vector<64x2048xf32> to vector<64x128xf32>
    %reshape3A_263 = vector.shape_cast %slice3A_262 : vector<64x128xf32> to vector<8x8x128xf32>
    %swap3A_264 = arith.constant 0 : index
    %swap3A_265 = arith.constant 19 : index
    %swap3A_266 = arith.constant 0 : index
    %swap3A_267 = arith.constant 0 : index
    %swap3A_268 = vector.load %arg9[%swap3A_264, %swap3A_265, %swap3A_266, %swap3A_267] : memref<8x32x8x128xf32, #tpu.memory_space<vmem>>, vector<8x1x8x128xf32>
    %swap3A_269 = vector.shape_cast %swap3A_268 : vector<8x1x8x128xf32> to vector<8x8x128xf32>
    %swap3A_270 = vector.shape_cast %reshape3A_263 : vector<8x8x128xf32> to vector<8x1x8x128xf32>
    tpu.vector_store %arg9[%swap3A_264, %swap3A_265, %swap3A_266, %swap3A_267], %swap3A_270 {strides = array<i32>} : memref<8x32x8x128xf32, #tpu.memory_space<vmem>>, vector<8x1x8x128xf32>,
    %slice3A_271 = vector.extract_strided_slice %transpose3A {offsets = [0, 1536], sizes = [64, 128], strides = [1, 1]} : vector<64x2048xf32> to vector<64x128xf32>
    %reshape3A_272 = vector.shape_cast %slice3A_271 : vector<64x128xf32> to vector<8x8x128xf32>
    %swap3A_273 = arith.constant 0 : index
    %swap3A_274 = arith.constant 24 : index
    %swap3A_275 = arith.constant 0 : index
    %swap3A_276 = arith.constant 0 : index
    %swap3A_277 = vector.load %arg8[%swap3A_273, %swap3A_274, %swap3A_275, %swap3A_276] : memref<8x32x8x128xf32, #tpu.memory_space<vmem>>, vector<8x1x8x128xf32>
    %swap3A_278 = vector.shape_cast %swap3A_277 : vector<8x1x8x128xf32> to vector<8x8x128xf32>
    %swap3A_279 = vector.shape_cast %reshape3A_272 : vector<8x8x128xf32> to vector<8x1x8x128xf32>
    tpu.vector_store %arg8[%swap3A_273, %swap3A_274, %swap3A_275, %swap3A_276], %swap3A_279 {strides = array<i32>} : memref<8x32x8x128xf32, #tpu.memory_space<vmem>>, vector<8x1x8x128xf32>,
    %slice3A_280 = vector.extract_strided_slice %transpose3A_55 {offsets = [0, 1536], sizes = [64, 128], strides = [1, 1]} : vector<64x2048xf32> to vector<64x128xf32>
    %reshape3A_281 = vector.shape_cast %slice3A_280 : vector<64x128xf32> to vector<8x8x128xf32>
    %swap3A_282 = arith.constant 0 : index
    %swap3A_283 = arith.constant 24 : index
    %swap3A_284 = arith.constant 0 : index
    %swap3A_285 = arith.constant 0 : index
    %swap3A_286 = vector.load %arg9[%swap3A_282, %swap3A_283, %swap3A_284, %swap3A_285] : memref<8x32x8x128xf32, #tpu.memory_space<vmem>>, vector<8x1x8x128xf32>
    %swap3A_287 = vector.shape_cast %swap3A_286 : vector<8x1x8x128xf32> to vector<8x8x128xf32>
    %swap3A_288 = vector.shape_cast %reshape3A_281 : vector<8x8x128xf32> to vector<8x1x8x128xf32>
    tpu.vector_store %arg9[%swap3A_282, %swap3A_283, %swap3A_284, %swap3A_285], %swap3A_288 {strides = array<i32>} : memref<8x32x8x128xf32, #tpu.memory_space<vmem>>, vector<8x1x8x128xf32>,
    %slice3A_289 = vector.extract_strided_slice %transpose3A {offsets = [0, 1664], sizes = [64, 128], strides = [1, 1]} : vector<64x2048xf32> to vector<64x128xf32>
    %reshape3A_290 = vector.shape_cast %slice3A_289 : vector<64x128xf32> to vector<8x8x128xf32>
    %swap3A_291 = arith.constant 0 : index
    %swap3A_292 = arith.constant 25 : index
    %swap3A_293 = arith.constant 0 : index
    %swap3A_294 = arith.constant 0 : index
    %swap3A_295 = vector.load %arg8[%swap3A_291, %swap3A_292, %swap3A_293, %swap3A_294] : memref<8x32x8x128xf32, #tpu.memory_space<vmem>>, vector<8x1x8x128xf32>
    %swap3A_296 = vector.shape_cast %swap3A_295 : vector<8x1x8x128xf32> to vector<8x8x128xf32>
    %swap3A_297 = vector.shape_cast %reshape3A_290 : vector<8x8x128xf32> to vector<8x1x8x128xf32>
    tpu.vector_store %arg8[%swap3A_291, %swap3A_292, %swap3A_293, %swap3A_294], %swap3A_297 {strides = array<i32>} : memref<8x32x8x128xf32, #tpu.memory_space<vmem>>, vector<8x1x8x128xf32>,
    %slice3A_298 = vector.extract_strided_slice %transpose3A_55 {offsets = [0, 1664], sizes = [64, 128], strides = [1, 1]} : vector<64x2048xf32> to vector<64x128xf32>
    %reshape3A_299 = vector.shape_cast %slice3A_298 : vector<64x128xf32> to vector<8x8x128xf32>
    %swap3A_300 = arith.constant 0 : index
    %swap3A_301 = arith.constant 25 : index
    %swap3A_302 = arith.constant 0 : index
    %swap3A_303 = arith.constant 0 : index
    %swap3A_304 = vector.load %arg9[%swap3A_300, %swap3A_301, %swap3A_302, %swap3A_303] : memref<8x32x8x128xf32, #tpu.memory_space<vmem>>, vector<8x1x8x128xf32>
    %swap3A_305 = vector.shape_cast %swap3A_304 : vector<8x1x8x128xf32> to vector<8x8x128xf32>
    %swap3A_306 = vector.shape_cast %reshape3A_299 : vector<8x8x128xf32> to vector<8x1x8x128xf32>
    tpu.vector_store %arg9[%swap3A_300, %swap3A_301, %swap3A_302, %swap3A_303], %swap3A_306 {strides = array<i32>} : memref<8x32x8x128xf32, #tpu.memory_space<vmem>>, vector<8x1x8x128xf32>,
    %slice3A_307 = vector.extract_strided_slice %transpose3A {offsets = [0, 1792], sizes = [64, 128], strides = [1, 1]} : vector<64x2048xf32> to vector<64x128xf32>
    %reshape3A_308 = vector.shape_cast %slice3A_307 : vector<64x128xf32> to vector<8x8x128xf32>
    %swap3A_309 = arith.constant 0 : index
    %swap3A_310 = arith.constant 26 : index
    %swap3A_311 = arith.constant 0 : index
    %swap3A_312 = arith.constant 0 : index
    %swap3A_313 = vector.load %arg8[%swap3A_309, %swap3A_310, %swap3A_311, %swap3A_312] : memref<8x32x8x128xf32, #tpu.memory_space<vmem>>, vector<8x1x8x128xf32>
    %swap3A_314 = vector.shape_cast %swap3A_313 : vector<8x1x8x128xf32> to vector<8x8x128xf32>
    %swap3A_315 = vector.shape_cast %reshape3A_308 : vector<8x8x128xf32> to vector<8x1x8x128xf32>
    tpu.vector_store %arg8[%swap3A_309, %swap3A_310, %swap3A_311, %swap3A_312], %swap3A_315 {strides = array<i32>} : memref<8x32x8x128xf32, #tpu.memory_space<vmem>>, vector<8x1x8x128xf32>,
    %slice3A_316 = vector.extract_strided_slice %transpose3A_55 {offsets = [0, 1792], sizes = [64, 128], strides = [1, 1]} : vector<64x2048xf32> to vector<64x128xf32>
    %reshape3A_317 = vector.shape_cast %slice3A_316 : vector<64x128xf32> to vector<8x8x128xf32>
    %swap3A_318 = arith.constant 0 : index
    %swap3A_319 = arith.constant 26 : index
    %swap3A_320 = arith.constant 0 : index
    %swap3A_321 = arith.constant 0 : index
    %swap3A_322 = vector.load %arg9[%swap3A_318, %swap3A_319, %swap3A_320, %swap3A_321] : memref<8x32x8x128xf32, #tpu.memory_space<vmem>>, vector<8x1x8x128xf32>
    %swap3A_323 = vector.shape_cast %swap3A_322 : vector<8x1x8x128xf32> to vector<8x8x128xf32>
    %swap3A_324 = vector.shape_cast %reshape3A_317 : vector<8x8x128xf32> to vector<8x1x8x128xf32>
    tpu.vector_store %arg9[%swap3A_318, %swap3A_319, %swap3A_320, %swap3A_321], %swap3A_324 {strides = array<i32>} : memref<8x32x8x128xf32, #tpu.memory_space<vmem>>, vector<8x1x8x128xf32>,
    %slice3A_325 = vector.extract_strided_slice %transpose3A {offsets = [0, 1920], sizes = [64, 128], strides = [1, 1]} : vector<64x2048xf32> to vector<64x128xf32>
    %reshape3A_326 = vector.shape_cast %slice3A_325 : vector<64x128xf32> to vector<8x8x128xf32>
    %swap3A_327 = arith.constant 0 : index
    %swap3A_328 = arith.constant 27 : index
    %swap3A_329 = arith.constant 0 : index
    %swap3A_330 = arith.constant 0 : index
    %swap3A_331 = vector.load %arg8[%swap3A_327, %swap3A_328, %swap3A_329, %swap3A_330] : memref<8x32x8x128xf32, #tpu.memory_space<vmem>>, vector<8x1x8x128xf32>
    %swap3A_332 = vector.shape_cast %swap3A_331 : vector<8x1x8x128xf32> to vector<8x8x128xf32>
    %swap3A_333 = vector.shape_cast %reshape3A_326 : vector<8x8x128xf32> to vector<8x1x8x128xf32>
    tpu.vector_store %arg8[%swap3A_327, %swap3A_328, %swap3A_329, %swap3A_330], %swap3A_333 {strides = array<i32>} : memref<8x32x8x128xf32, #tpu.memory_space<vmem>>, vector<8x1x8x128xf32>,
    %slice3A_334 = vector.extract_strided_slice %transpose3A_55 {offsets = [0, 1920], sizes = [64, 128], strides = [1, 1]} : vector<64x2048xf32> to vector<64x128xf32>
    %reshape3A_335 = vector.shape_cast %slice3A_334 : vector<64x128xf32> to vector<8x8x128xf32>
    %swap3A_336 = arith.constant 0 : index
    %swap3A_337 = arith.constant 27 : index
    %swap3A_338 = arith.constant 0 : index
    %swap3A_339 = arith.constant 0 : index
    %swap3A_340 = vector.load %arg9[%swap3A_336, %swap3A_337, %swap3A_338, %swap3A_339] : memref<8x32x8x128xf32, #tpu.memory_space<vmem>>, vector<8x1x8x128xf32>
    %swap3A_341 = vector.shape_cast %swap3A_340 : vector<8x1x8x128xf32> to vector<8x8x128xf32>
    %swap3A_342 = vector.shape_cast %reshape3A_335 : vector<8x8x128xf32> to vector<8x1x8x128xf32>
    tpu.vector_store %arg9[%swap3A_336, %swap3A_337, %swap3A_338, %swap3A_339], %swap3A_342 {strides = array<i32>} : memref<8x32x8x128xf32, #tpu.memory_space<vmem>>, vector<8x1x8x128xf32>,
    %slice3A_343 = vector.extract_strided_slice %get3A_13 {offsets = [0, 64], sizes = [2048, 64], strides = [1, 1]} : vector<2048x128xf32> to vector<2048x64xf32>
    %slice3A_344 = vector.extract_strided_slice %get3A_16 {offsets = [0, 64], sizes = [2048, 64], strides = [1, 1]} : vector<2048x128xf32> to vector<2048x64xf32>
    %dot_general3A_345 = arith.constant dense<0.000000e+00> : vector<2048x64xf32>
    %dot_general3A_346 = tpu.matmul %slice3A_343, %get3A_1, %dot_general3A_345 {dimension_numbers = #tpu.dot_dimension_numbers<[1], [1], [0], [0], [0, 0, 1, 0], [], []>, transpose_lhs_hint = false} : vector<2048x64xf32>, vector<64x64xf32>, vector<2048x64xf32> -> vector<2048x64xf32>
    %dot_general3A_347 = arith.constant dense<0.000000e+00> : vector<2048x64xf32>
    %dot_general3A_348 = tpu.matmul %slice3A_344, %get3A_4, %dot_general3A_347 {dimension_numbers = #tpu.dot_dimension_numbers<[1], [1], [0], [0], [0, 0, 1, 0], [], []>, transpose_lhs_hint = false} : vector<2048x64xf32>, vector<64x64xf32>, vector<2048x64xf32> -> vector<2048x64xf32>
    %add3A_349 = arith.addf %dot_general3A_346, %dot_general3A_348 : vector<2048x64xf32>
    %add3A_350 = vector.broadcast %get3A_7 : vector<1x64xf32> to vector<2048x64xf32>
    %add3A_351 = arith.addf %add3A_349, %add3A_350 : vector<2048x64xf32>
    %max3A_352 = arith.constant 0.000000e+00 : f32
    %max3A_353 = vector.broadcast %max3A_352 : f32 to vector<2048x64xf32>
    %max3A_354 = arith.maximumf %add3A_351, %max3A_353 : vector<2048x64xf32>
    %mul3A_355 = vector.broadcast %get3A_10 : vector<1x64xf32> to vector<2048x64xf32>
    %mul3A_356 = arith.mulf %max3A_354, %mul3A_355 : vector<2048x64xf32>
    %reduce_sum3A_357 = arith.constant dense<0.000000e+00> : vector<2048xf32>
    %reduce_sum3A_358 = vector.multi_reduction <add>, %mul3A_356, %reduce_sum3A_357 [1] : vector<2048x64xf32> to vector<2048xf32>
    %logistic3A_359 = arith.negf %reduce_sum3A_358 : vector<2048xf32>
    %logistic3A_360 = math.exp %logistic3A_359 : vector<2048xf32>
    %logistic3A_361 = arith.constant 1.000000e+00 : f32
    %logistic3A_362 = vector.broadcast %logistic3A_361 : f32 to vector<2048xf32>
    %logistic3A_363 = arith.addf %logistic3A_362, %logistic3A_360 : vector<2048xf32>
    %logistic3A_364 = arith.divf %logistic3A_362, %logistic3A_363 : vector<2048xf32>
    %slice3A_365 = vector.extract_strided_slice %logistic3A_364 {offsets = [0], sizes = [512], strides = [1]} : vector<2048xf32> to vector<512xf32>
    %swap3A_366 = arith.constant 0 : index
    %swap3A_367 = arith.constant 512 : index
    %swap3A_368 = vector.load %arg7[%swap3A_366, %swap3A_367] : memref<1x4096xf32, #tpu.memory_space<vmem>>, vector<1x512xf32>
    %swap3A_369 = vector.shape_cast %swap3A_368 : vector<1x512xf32> to vector<512xf32>
    %swap3A_370 = vector.shape_cast %slice3A_365 : vector<512xf32> to vector<1x512xf32>
    tpu.vector_store %arg7[%swap3A_366, %swap3A_367], %swap3A_370 {strides = array<i32>} : memref<1x4096xf32, #tpu.memory_space<vmem>>, vector<1x512xf32>,
    %slice3A_371 = vector.extract_strided_slice %logistic3A_364 {offsets = [512], sizes = [512], strides = [1]} : vector<2048xf32> to vector<512xf32>
    %swap3A_372 = arith.constant 0 : index
    %swap3A_373 = arith.constant 1536 : index
    %swap3A_374 = vector.load %arg7[%swap3A_372, %swap3A_373] : memref<1x4096xf32, #tpu.memory_space<vmem>>, vector<1x512xf32>
    %swap3A_375 = vector.shape_cast %swap3A_374 : vector<1x512xf32> to vector<512xf32>
    %swap3A_376 = vector.shape_cast %slice3A_371 : vector<512xf32> to vector<1x512xf32>
    tpu.vector_store %arg7[%swap3A_372, %swap3A_373], %swap3A_376 {strides = array<i32>} : memref<1x4096xf32, #tpu.memory_space<vmem>>, vector<1x512xf32>,
    %slice3A_377 = vector.extract_strided_slice %logistic3A_364 {offsets = [1024], sizes = [512], strides = [1]} : vector<2048xf32> to vector<512xf32>
    %swap3A_378 = arith.constant 0 : index
    %swap3A_379 = arith.constant 2560 : index
    %swap3A_380 = vector.load %arg7[%swap3A_378, %swap3A_379] : memref<1x4096xf32, #tpu.memory_space<vmem>>, vector<1x512xf32>
    %swap3A_381 = vector.shape_cast %swap3A_380 : vector<1x512xf32> to vector<512xf32>
    %swap3A_382 = vector.shape_cast %slice3A_377 : vector<512xf32> to vector<1x512xf32>
    tpu.vector_store %arg7[%swap3A_378, %swap3A_379], %swap3A_382 {strides = array<i32>} : memref<1x4096xf32, #tpu.memory_space<vmem>>, vector<1x512xf32>,
    %slice3A_383 = vector.extract_strided_slice %logistic3A_364 {offsets = [1536], sizes = [512], strides = [1]} : vector<2048xf32> to vector<512xf32>
    %swap3A_384 = arith.constant 0 : index
    %swap3A_385 = arith.constant 3584 : index
    %swap3A_386 = vector.load %arg7[%swap3A_384, %swap3A_385] : memref<1x4096xf32, #tpu.memory_space<vmem>>, vector<1x512xf32>
    %swap3A_387 = vector.shape_cast %swap3A_386 : vector<1x512xf32> to vector<512xf32>
    %swap3A_388 = vector.shape_cast %slice3A_383 : vector<512xf32> to vector<1x512xf32>
    tpu.vector_store %arg7[%swap3A_384, %swap3A_385], %swap3A_388 {strides = array<i32>} : memref<1x4096xf32, #tpu.memory_space<vmem>>, vector<1x512xf32>,
    %transpose3A_389 = tpu.transpose %slice3A_343, [1, 0] : vector<2048x64xf32> -> vector<64x2048xf32>
    %transpose3A_390 = tpu.transpose %slice3A_344, [1, 0] : vector<2048x64xf32> -> vector<64x2048xf32>
    %slice3A_391 = vector.extract_strided_slice %transpose3A_389 {offsets = [0, 0], sizes = [64, 128], strides = [1, 1]} : vector<64x2048xf32> to vector<64x128xf32>
    %reshape3A_392 = vector.shape_cast %slice3A_391 : vector<64x128xf32> to vector<8x8x128xf32>
    %swap3A_393 = arith.constant 0 : index
    %swap3A_394 = arith.constant 4 : index
    %swap3A_395 = arith.constant 0 : index
    %swap3A_396 = arith.constant 0 : index
    %swap3A_397 = vector.load %arg8[%swap3A_393, %swap3A_394, %swap3A_395, %swap3A_396] : memref<8x32x8x128xf32, #tpu.memory_space<vmem>>, vector<8x1x8x128xf32>
    %swap3A_398 = vector.shape_cast %swap3A_397 : vector<8x1x8x128xf32> to vector<8x8x128xf32>
    %swap3A_399 = vector.shape_cast %reshape3A_392 : vector<8x8x128xf32> to vector<8x1x8x128xf32>
    tpu.vector_store %arg8[%swap3A_393, %swap3A_394, %swap3A_395, %swap3A_396], %swap3A_399 {strides = array<i32>} : memref<8x32x8x128xf32, #tpu.memory_space<vmem>>, vector<8x1x8x128xf32>,
    %slice3A_400 = vector.extract_strided_slice %transpose3A_390 {offsets = [0, 0], sizes = [64, 128], strides = [1, 1]} : vector<64x2048xf32> to vector<64x128xf32>
    %reshape3A_401 = vector.shape_cast %slice3A_400 : vector<64x128xf32> to vector<8x8x128xf32>
    %swap3A_402 = arith.constant 0 : index
    %swap3A_403 = arith.constant 4 : index
    %swap3A_404 = arith.constant 0 : index
    %swap3A_405 = arith.constant 0 : index
    %swap3A_406 = vector.load %arg9[%swap3A_402, %swap3A_403, %swap3A_404, %swap3A_405] : memref<8x32x8x128xf32, #tpu.memory_space<vmem>>, vector<8x1x8x128xf32>
    %swap3A_407 = vector.shape_cast %swap3A_406 : vector<8x1x8x128xf32> to vector<8x8x128xf32>
    %swap3A_408 = vector.shape_cast %reshape3A_401 : vector<8x8x128xf32> to vector<8x1x8x128xf32>
    tpu.vector_store %arg9[%swap3A_402, %swap3A_403, %swap3A_404, %swap3A_405], %swap3A_408 {strides = array<i32>} : memref<8x32x8x128xf32, #tpu.memory_space<vmem>>, vector<8x1x8x128xf32>,
    %slice3A_409 = vector.extract_strided_slice %transpose3A_389 {offsets = [0, 128], sizes = [64, 128], strides = [1, 1]} : vector<64x2048xf32> to vector<64x128xf32>
    %reshape3A_410 = vector.shape_cast %slice3A_409 : vector<64x128xf32> to vector<8x8x128xf32>
    %swap3A_411 = arith.constant 0 : index
    %swap3A_412 = arith.constant 5 : index
    %swap3A_413 = arith.constant 0 : index
    %swap3A_414 = arith.constant 0 : index
    %swap3A_415 = vector.load %arg8[%swap3A_411, %swap3A_412, %swap3A_413, %swap3A_414] : memref<8x32x8x128xf32, #tpu.memory_space<vmem>>, vector<8x1x8x128xf32>
    %swap3A_416 = vector.shape_cast %swap3A_415 : vector<8x1x8x128xf32> to vector<8x8x128xf32>
    %swap3A_417 = vector.shape_cast %reshape3A_410 : vector<8x8x128xf32> to vector<8x1x8x128xf32>
    tpu.vector_store %arg8[%swap3A_411, %swap3A_412, %swap3A_413, %swap3A_414], %swap3A_417 {strides = array<i32>} : memref<8x32x8x128xf32, #tpu.memory_space<vmem>>, vector<8x1x8x128xf32>,
    %slice3A_418 = vector.extract_strided_slice %transpose3A_390 {offsets = [0, 128], sizes = [64, 128], strides = [1, 1]} : vector<64x2048xf32> to vector<64x128xf32>
    %reshape3A_419 = vector.shape_cast %slice3A_418 : vector<64x128xf32> to vector<8x8x128xf32>
    %swap3A_420 = arith.constant 0 : index
    %swap3A_421 = arith.constant 5 : index
    %swap3A_422 = arith.constant 0 : index
    %swap3A_423 = arith.constant 0 : index
    %swap3A_424 = vector.load %arg9[%swap3A_420, %swap3A_421, %swap3A_422, %swap3A_423] : memref<8x32x8x128xf32, #tpu.memory_space<vmem>>, vector<8x1x8x128xf32>
    %swap3A_425 = vector.shape_cast %swap3A_424 : vector<8x1x8x128xf32> to vector<8x8x128xf32>
    %swap3A_426 = vector.shape_cast %reshape3A_419 : vector<8x8x128xf32> to vector<8x1x8x128xf32>
    tpu.vector_store %arg9[%swap3A_420, %swap3A_421, %swap3A_422, %swap3A_423], %swap3A_426 {strides = array<i32>} : memref<8x32x8x128xf32, #tpu.memory_space<vmem>>, vector<8x1x8x128xf32>,
    %slice3A_427 = vector.extract_strided_slice %transpose3A_389 {offsets = [0, 256], sizes = [64, 128], strides = [1, 1]} : vector<64x2048xf32> to vector<64x128xf32>
    %reshape3A_428 = vector.shape_cast %slice3A_427 : vector<64x128xf32> to vector<8x8x128xf32>
    %swap3A_429 = arith.constant 0 : index
    %swap3A_430 = arith.constant 6 : index
    %swap3A_431 = arith.constant 0 : index
    %swap3A_432 = arith.constant 0 : index
    %swap3A_433 = vector.load %arg8[%swap3A_429, %swap3A_430, %swap3A_431, %swap3A_432] : memref<8x32x8x128xf32, #tpu.memory_space<vmem>>, vector<8x1x8x128xf32>
    %swap3A_434 = vector.shape_cast %swap3A_433 : vector<8x1x8x128xf32> to vector<8x8x128xf32>
    %swap3A_435 = vector.shape_cast %reshape3A_428 : vector<8x8x128xf32> to vector<8x1x8x128xf32>
    tpu.vector_store %arg8[%swap3A_429, %swap3A_430, %swap3A_431, %swap3A_432], %swap3A_435 {strides = array<i32>} : memref<8x32x8x128xf32, #tpu.memory_space<vmem>>, vector<8x1x8x128xf32>,
    %slice3A_436 = vector.extract_strided_slice %transpose3A_390 {offsets = [0, 256], sizes = [64, 128], strides = [1, 1]} : vector<64x2048xf32> to vector<64x128xf32>
    %reshape3A_437 = vector.shape_cast %slice3A_436 : vector<64x128xf32> to vector<8x8x128xf32>
    %swap3A_438 = arith.constant 0 : index
    %swap3A_439 = arith.constant 6 : index
    %swap3A_440 = arith.constant 0 : index
    %swap3A_441 = arith.constant 0 : index
    %swap3A_442 = vector.load %arg9[%swap3A_438, %swap3A_439, %swap3A_440, %swap3A_441] : memref<8x32x8x128xf32, #tpu.memory_space<vmem>>, vector<8x1x8x128xf32>
    %swap3A_443 = vector.shape_cast %swap3A_442 : vector<8x1x8x128xf32> to vector<8x8x128xf32>
    %swap3A_444 = vector.shape_cast %reshape3A_437 : vector<8x8x128xf32> to vector<8x1x8x128xf32>
    tpu.vector_store %arg9[%swap3A_438, %swap3A_439, %swap3A_440, %swap3A_441], %swap3A_444 {strides = array<i32>} : memref<8x32x8x128xf32, #tpu.memory_space<vmem>>, vector<8x1x8x128xf32>,
    %slice3A_445 = vector.extract_strided_slice %transpose3A_389 {offsets = [0, 384], sizes = [64, 128], strides = [1, 1]} : vector<64x2048xf32> to vector<64x128xf32>
    %reshape3A_446 = vector.shape_cast %slice3A_445 : vector<64x128xf32> to vector<8x8x128xf32>
    %swap3A_447 = arith.constant 0 : index
    %swap3A_448 = arith.constant 7 : index
    %swap3A_449 = arith.constant 0 : index
    %swap3A_450 = arith.constant 0 : index
    %swap3A_451 = vector.load %arg8[%swap3A_447, %swap3A_448, %swap3A_449, %swap3A_450] : memref<8x32x8x128xf32, #tpu.memory_space<vmem>>, vector<8x1x8x128xf32>
    %swap3A_452 = vector.shape_cast %swap3A_451 : vector<8x1x8x128xf32> to vector<8x8x128xf32>
    %swap3A_453 = vector.shape_cast %reshape3A_446 : vector<8x8x128xf32> to vector<8x1x8x128xf32>
    tpu.vector_store %arg8[%swap3A_447, %swap3A_448, %swap3A_449, %swap3A_450], %swap3A_453 {strides = array<i32>} : memref<8x32x8x128xf32, #tpu.memory_space<vmem>>, vector<8x1x8x128xf32>,
    %slice3A_454 = vector.extract_strided_slice %transpose3A_390 {offsets = [0, 384], sizes = [64, 128], strides = [1, 1]} : vector<64x2048xf32> to vector<64x128xf32>
    %reshape3A_455 = vector.shape_cast %slice3A_454 : vector<64x128xf32> to vector<8x8x128xf32>
    %swap3A_456 = arith.constant 0 : index
    %swap3A_457 = arith.constant 7 : index
    %swap3A_458 = arith.constant 0 : index
    %swap3A_459 = arith.constant 0 : index
    %swap3A_460 = vector.load %arg9[%swap3A_456, %swap3A_457, %swap3A_458, %swap3A_459] : memref<8x32x8x128xf32, #tpu.memory_space<vmem>>, vector<8x1x8x128xf32>
    %swap3A_461 = vector.shape_cast %swap3A_460 : vector<8x1x8x128xf32> to vector<8x8x128xf32>
    %swap3A_462 = vector.shape_cast %reshape3A_455 : vector<8x8x128xf32> to vector<8x1x8x128xf32>
    tpu.vector_store %arg9[%swap3A_456, %swap3A_457, %swap3A_458, %swap3A_459], %swap3A_462 {strides = array<i32>} : memref<8x32x8x128xf32, #tpu.memory_space<vmem>>, vector<8x1x8x128xf32>,
    %slice3A_463 = vector.extract_strided_slice %transpose3A_389 {offsets = [0, 512], sizes = [64, 128], strides = [1, 1]} : vector<64x2048xf32> to vector<64x128xf32>
    %reshape3A_464 = vector.shape_cast %slice3A_463 : vector<64x128xf32> to vector<8x8x128xf32>
    %swap3A_465 = arith.constant 0 : index
    %swap3A_466 = arith.constant 12 : index
    %swap3A_467 = arith.constant 0 : index
    %swap3A_468 = arith.constant 0 : index
    %swap3A_469 = vector.load %arg8[%swap3A_465, %swap3A_466, %swap3A_467, %swap3A_468] : memref<8x32x8x128xf32, #tpu.memory_space<vmem>>, vector<8x1x8x128xf32>
    %swap3A_470 = vector.shape_cast %swap3A_469 : vector<8x1x8x128xf32> to vector<8x8x128xf32>
    %swap3A_471 = vector.shape_cast %reshape3A_464 : vector<8x8x128xf32> to vector<8x1x8x128xf32>
    tpu.vector_store %arg8[%swap3A_465, %swap3A_466, %swap3A_467, %swap3A_468], %swap3A_471 {strides = array<i32>} : memref<8x32x8x128xf32, #tpu.memory_space<vmem>>, vector<8x1x8x128xf32>,
    %slice3A_472 = vector.extract_strided_slice %transpose3A_390 {offsets = [0, 512], sizes = [64, 128], strides = [1, 1]} : vector<64x2048xf32> to vector<64x128xf32>
    %reshape3A_473 = vector.shape_cast %slice3A_472 : vector<64x128xf32> to vector<8x8x128xf32>
    %swap3A_474 = arith.constant 0 : index
    %swap3A_475 = arith.constant 12 : index
    %swap3A_476 = arith.constant 0 : index
    %swap3A_477 = arith.constant 0 : index
    %swap3A_478 = vector.load %arg9[%swap3A_474, %swap3A_475, %swap3A_476, %swap3A_477] : memref<8x32x8x128xf32, #tpu.memory_space<vmem>>, vector<8x1x8x128xf32>
    %swap3A_479 = vector.shape_cast %swap3A_478 : vector<8x1x8x128xf32> to vector<8x8x128xf32>
    %swap3A_480 = vector.shape_cast %reshape3A_473 : vector<8x8x128xf32> to vector<8x1x8x128xf32>
    tpu.vector_store %arg9[%swap3A_474, %swap3A_475, %swap3A_476, %swap3A_477], %swap3A_480 {strides = array<i32>} : memref<8x32x8x128xf32, #tpu.memory_space<vmem>>, vector<8x1x8x128xf32>,
    %slice3A_481 = vector.extract_strided_slice %transpose3A_389 {offsets = [0, 640], sizes = [64, 128], strides = [1, 1]} : vector<64x2048xf32> to vector<64x128xf32>
    %reshape3A_482 = vector.shape_cast %slice3A_481 : vector<64x128xf32> to vector<8x8x128xf32>
    %swap3A_483 = arith.constant 0 : index
    %swap3A_484 = arith.constant 13 : index
    %swap3A_485 = arith.constant 0 : index
    %swap3A_486 = arith.constant 0 : index
    %swap3A_487 = vector.load %arg8[%swap3A_483, %swap3A_484, %swap3A_485, %swap3A_486] : memref<8x32x8x128xf32, #tpu.memory_space<vmem>>, vector<8x1x8x128xf32>
    %swap3A_488 = vector.shape_cast %swap3A_487 : vector<8x1x8x128xf32> to vector<8x8x128xf32>
    %swap3A_489 = vector.shape_cast %reshape3A_482 : vector<8x8x128xf32> to vector<8x1x8x128xf32>
    tpu.vector_store %arg8[%swap3A_483, %swap3A_484, %swap3A_485, %swap3A_486], %swap3A_489 {strides = array<i32>} : memref<8x32x8x128xf32, #tpu.memory_space<vmem>>, vector<8x1x8x128xf32>,
    %slice3A_490 = vector.extract_strided_slice %transpose3A_390 {offsets = [0, 640], sizes = [64, 128], strides = [1, 1]} : vector<64x2048xf32> to vector<64x128xf32>
    %reshape3A_491 = vector.shape_cast %slice3A_490 : vector<64x128xf32> to vector<8x8x128xf32>
    %swap3A_492 = arith.constant 0 : index
    %swap3A_493 = arith.constant 13 : index
    %swap3A_494 = arith.constant 0 : index
    %swap3A_495 = arith.constant 0 : index
    %swap3A_496 = vector.load %arg9[%swap3A_492, %swap3A_493, %swap3A_494, %swap3A_495] : memref<8x32x8x128xf32, #tpu.memory_space<vmem>>, vector<8x1x8x128xf32>
    %swap3A_497 = vector.shape_cast %swap3A_496 : vector<8x1x8x128xf32> to vector<8x8x128xf32>
    %swap3A_498 = vector.shape_cast %reshape3A_491 : vector<8x8x128xf32> to vector<8x1x8x128xf32>
    tpu.vector_store %arg9[%swap3A_492, %swap3A_493, %swap3A_494, %swap3A_495], %swap3A_498 {strides = array<i32>} : memref<8x32x8x128xf32, #tpu.memory_space<vmem>>, vector<8x1x8x128xf32>,
    %slice3A_499 = vector.extract_strided_slice %transpose3A_389 {offsets = [0, 768], sizes = [64, 128], strides = [1, 1]} : vector<64x2048xf32> to vector<64x128xf32>
    %reshape3A_500 = vector.shape_cast %slice3A_499 : vector<64x128xf32> to vector<8x8x128xf32>
    %swap3A_501 = arith.constant 0 : index
    %swap3A_502 = arith.constant 14 : index
    %swap3A_503 = arith.constant 0 : index
    %swap3A_504 = arith.constant 0 : index
    %swap3A_505 = vector.load %arg8[%swap3A_501, %swap3A_502, %swap3A_503, %swap3A_504] : memref<8x32x8x128xf32, #tpu.memory_space<vmem>>, vector<8x1x8x128xf32>
    %swap3A_506 = vector.shape_cast %swap3A_505 : vector<8x1x8x128xf32> to vector<8x8x128xf32>
    %swap3A_507 = vector.shape_cast %reshape3A_500 : vector<8x8x128xf32> to vector<8x1x8x128xf32>
    tpu.vector_store %arg8[%swap3A_501, %swap3A_502, %swap3A_503, %swap3A_504], %swap3A_507 {strides = array<i32>} : memref<8x32x8x128xf32, #tpu.memory_space<vmem>>, vector<8x1x8x128xf32>,
    %slice3A_508 = vector.extract_strided_slice %transpose3A_390 {offsets = [0, 768], sizes = [64, 128], strides = [1, 1]} : vector<64x2048xf32> to vector<64x128xf32>
    %reshape3A_509 = vector.shape_cast %slice3A_508 : vector<64x128xf32> to vector<8x8x128xf32>
    %swap3A_510 = arith.constant 0 : index
    %swap3A_511 = arith.constant 14 : index
    %swap3A_512 = arith.constant 0 : index
    %swap3A_513 = arith.constant 0 : index
    %swap3A_514 = vector.load %arg9[%swap3A_510, %swap3A_511, %swap3A_512, %swap3A_513] : memref<8x32x8x128xf32, #tpu.memory_space<vmem>>, vector<8x1x8x128xf32>
    %swap3A_515 = vector.shape_cast %swap3A_514 : vector<8x1x8x128xf32> to vector<8x8x128xf32>
    %swap3A_516 = vector.shape_cast %reshape3A_509 : vector<8x8x128xf32> to vector<8x1x8x128xf32>
    tpu.vector_store %arg9[%swap3A_510, %swap3A_511, %swap3A_512, %swap3A_513], %swap3A_516 {strides = array<i32>} : memref<8x32x8x128xf32, #tpu.memory_space<vmem>>, vector<8x1x8x128xf32>,
    %slice3A_517 = vector.extract_strided_slice %transpose3A_389 {offsets = [0, 896], sizes = [64, 128], strides = [1, 1]} : vector<64x2048xf32> to vector<64x128xf32>
    %reshape3A_518 = vector.shape_cast %slice3A_517 : vector<64x128xf32> to vector<8x8x128xf32>
    %swap3A_519 = arith.constant 0 : index
    %swap3A_520 = arith.constant 15 : index
    %swap3A_521 = arith.constant 0 : index
    %swap3A_522 = arith.constant 0 : index
    %swap3A_523 = vector.load %arg8[%swap3A_519, %swap3A_520, %swap3A_521, %swap3A_522] : memref<8x32x8x128xf32, #tpu.memory_space<vmem>>, vector<8x1x8x128xf32>
    %swap3A_524 = vector.shape_cast %swap3A_523 : vector<8x1x8x128xf32> to vector<8x8x128xf32>
    %swap3A_525 = vector.shape_cast %reshape3A_518 : vector<8x8x128xf32> to vector<8x1x8x128xf32>
    tpu.vector_store %arg8[%swap3A_519, %swap3A_520, %swap3A_521, %swap3A_522], %swap3A_525 {strides = array<i32>} : memref<8x32x8x128xf32, #tpu.memory_space<vmem>>, vector<8x1x8x128xf32>,
    %slice3A_526 = vector.extract_strided_slice %transpose3A_390 {offsets = [0, 896], sizes = [64, 128], strides = [1, 1]} : vector<64x2048xf32> to vector<64x128xf32>
    %reshape3A_527 = vector.shape_cast %slice3A_526 : vector<64x128xf32> to vector<8x8x128xf32>
    %swap3A_528 = arith.constant 0 : index
    %swap3A_529 = arith.constant 15 : index
    %swap3A_530 = arith.constant 0 : index
    %swap3A_531 = arith.constant 0 : index
    %swap3A_532 = vector.load %arg9[%swap3A_528, %swap3A_529, %swap3A_530, %swap3A_531] : memref<8x32x8x128xf32, #tpu.memory_space<vmem>>, vector<8x1x8x128xf32>
    %swap3A_533 = vector.shape_cast %swap3A_532 : vector<8x1x8x128xf32> to vector<8x8x128xf32>
    %swap3A_534 = vector.shape_cast %reshape3A_527 : vector<8x8x128xf32> to vector<8x1x8x128xf32>
    tpu.vector_store %arg9[%swap3A_528, %swap3A_529, %swap3A_530, %swap3A_531], %swap3A_534 {strides = array<i32>} : memref<8x32x8x128xf32, #tpu.memory_space<vmem>>, vector<8x1x8x128xf32>,
    %slice3A_535 = vector.extract_strided_slice %transpose3A_389 {offsets = [0, 1024], sizes = [64, 128], strides = [1, 1]} : vector<64x2048xf32> to vector<64x128xf32>
    %reshape3A_536 = vector.shape_cast %slice3A_535 : vector<64x128xf32> to vector<8x8x128xf32>
    %swap3A_537 = arith.constant 0 : index
    %swap3A_538 = arith.constant 20 : index
    %swap3A_539 = arith.constant 0 : index
    %swap3A_540 = arith.constant 0 : index
    %swap3A_541 = vector.load %arg8[%swap3A_537, %swap3A_538, %swap3A_539, %swap3A_540] : memref<8x32x8x128xf32, #tpu.memory_space<vmem>>, vector<8x1x8x128xf32>
    %swap3A_542 = vector.shape_cast %swap3A_541 : vector<8x1x8x128xf32> to vector<8x8x128xf32>
    %swap3A_543 = vector.shape_cast %reshape3A_536 : vector<8x8x128xf32> to vector<8x1x8x128xf32>
    tpu.vector_store %arg8[%swap3A_537, %swap3A_538, %swap3A_539, %swap3A_540], %swap3A_543 {strides = array<i32>} : memref<8x32x8x128xf32, #tpu.memory_space<vmem>>, vector<8x1x8x128xf32>,
    %slice3A_544 = vector.extract_strided_slice %transpose3A_390 {offsets = [0, 1024], sizes = [64, 128], strides = [1, 1]} : vector<64x2048xf32> to vector<64x128xf32>
    %reshape3A_545 = vector.shape_cast %slice3A_544 : vector<64x128xf32> to vector<8x8x128xf32>
    %swap3A_546 = arith.constant 0 : index
    %swap3A_547 = arith.constant 20 : index
    %swap3A_548 = arith.constant 0 : index
    %swap3A_549 = arith.constant 0 : index
    %swap3A_550 = vector.load %arg9[%swap3A_546, %swap3A_547, %swap3A_548, %swap3A_549] : memref<8x32x8x128xf32, #tpu.memory_space<vmem>>, vector<8x1x8x128xf32>
    %swap3A_551 = vector.shape_cast %swap3A_550 : vector<8x1x8x128xf32> to vector<8x8x128xf32>
    %swap3A_552 = vector.shape_cast %reshape3A_545 : vector<8x8x128xf32> to vector<8x1x8x128xf32>
    tpu.vector_store %arg9[%swap3A_546, %swap3A_547, %swap3A_548, %swap3A_549], %swap3A_552 {strides = array<i32>} : memref<8x32x8x128xf32, #tpu.memory_space<vmem>>, vector<8x1x8x128xf32>,
    %slice3A_553 = vector.extract_strided_slice %transpose3A_389 {offsets = [0, 1152], sizes = [64, 128], strides = [1, 1]} : vector<64x2048xf32> to vector<64x128xf32>
    %reshape3A_554 = vector.shape_cast %slice3A_553 : vector<64x128xf32> to vector<8x8x128xf32>
    %swap3A_555 = arith.constant 0 : index
    %swap3A_556 = arith.constant 21 : index
    %swap3A_557 = arith.constant 0 : index
    %swap3A_558 = arith.constant 0 : index
    %swap3A_559 = vector.load %arg8[%swap3A_555, %swap3A_556, %swap3A_557, %swap3A_558] : memref<8x32x8x128xf32, #tpu.memory_space<vmem>>, vector<8x1x8x128xf32>
    %swap3A_560 = vector.shape_cast %swap3A_559 : vector<8x1x8x128xf32> to vector<8x8x128xf32>
    %swap3A_561 = vector.shape_cast %reshape3A_554 : vector<8x8x128xf32> to vector<8x1x8x128xf32>
    tpu.vector_store %arg8[%swap3A_555, %swap3A_556, %swap3A_557, %swap3A_558], %swap3A_561 {strides = array<i32>} : memref<8x32x8x128xf32, #tpu.memory_space<vmem>>, vector<8x1x8x128xf32>,
    %slice3A_562 = vector.extract_strided_slice %transpose3A_390 {offsets = [0, 1152], sizes = [64, 128], strides = [1, 1]} : vector<64x2048xf32> to vector<64x128xf32>
    %reshape3A_563 = vector.shape_cast %slice3A_562 : vector<64x128xf32> to vector<8x8x128xf32>
    %swap3A_564 = arith.constant 0 : index
    %swap3A_565 = arith.constant 21 : index
    %swap3A_566 = arith.constant 0 : index
    %swap3A_567 = arith.constant 0 : index
    %swap3A_568 = vector.load %arg9[%swap3A_564, %swap3A_565, %swap3A_566, %swap3A_567] : memref<8x32x8x128xf32, #tpu.memory_space<vmem>>, vector<8x1x8x128xf32>
    %swap3A_569 = vector.shape_cast %swap3A_568 : vector<8x1x8x128xf32> to vector<8x8x128xf32>
    %swap3A_570 = vector.shape_cast %reshape3A_563 : vector<8x8x128xf32> to vector<8x1x8x128xf32>
    tpu.vector_store %arg9[%swap3A_564, %swap3A_565, %swap3A_566, %swap3A_567], %swap3A_570 {strides = array<i32>} : memref<8x32x8x128xf32, #tpu.memory_space<vmem>>, vector<8x1x8x128xf32>,
    %slice3A_571 = vector.extract_strided_slice %transpose3A_389 {offsets = [0, 1280], sizes = [64, 128], strides = [1, 1]} : vector<64x2048xf32> to vector<64x128xf32>
    %reshape3A_572 = vector.shape_cast %slice3A_571 : vector<64x128xf32> to vector<8x8x128xf32>
    %swap3A_573 = arith.constant 0 : index
    %swap3A_574 = arith.constant 22 : index
    %swap3A_575 = arith.constant 0 : index
    %swap3A_576 = arith.constant 0 : index
    %swap3A_577 = vector.load %arg8[%swap3A_573, %swap3A_574, %swap3A_575, %swap3A_576] : memref<8x32x8x128xf32, #tpu.memory_space<vmem>>, vector<8x1x8x128xf32>
    %swap3A_578 = vector.shape_cast %swap3A_577 : vector<8x1x8x128xf32> to vector<8x8x128xf32>
    %swap3A_579 = vector.shape_cast %reshape3A_572 : vector<8x8x128xf32> to vector<8x1x8x128xf32>
    tpu.vector_store %arg8[%swap3A_573, %swap3A_574, %swap3A_575, %swap3A_576], %swap3A_579 {strides = array<i32>} : memref<8x32x8x128xf32, #tpu.memory_space<vmem>>, vector<8x1x8x128xf32>,
    %slice3A_580 = vector.extract_strided_slice %transpose3A_390 {offsets = [0, 1280], sizes = [64, 128], strides = [1, 1]} : vector<64x2048xf32> to vector<64x128xf32>
    %reshape3A_581 = vector.shape_cast %slice3A_580 : vector<64x128xf32> to vector<8x8x128xf32>
    %swap3A_582 = arith.constant 0 : index
    %swap3A_583 = arith.constant 22 : index
    %swap3A_584 = arith.constant 0 : index
    %swap3A_585 = arith.constant 0 : index
    %swap3A_586 = vector.load %arg9[%swap3A_582, %swap3A_583, %swap3A_584, %swap3A_585] : memref<8x32x8x128xf32, #tpu.memory_space<vmem>>, vector<8x1x8x128xf32>
    %swap3A_587 = vector.shape_cast %swap3A_586 : vector<8x1x8x128xf32> to vector<8x8x128xf32>
    %swap3A_588 = vector.shape_cast %reshape3A_581 : vector<8x8x128xf32> to vector<8x1x8x128xf32>
    tpu.vector_store %arg9[%swap3A_582, %swap3A_583, %swap3A_584, %swap3A_585], %swap3A_588 {strides = array<i32>} : memref<8x32x8x128xf32, #tpu.memory_space<vmem>>, vector<8x1x8x128xf32>,
    %slice3A_589 = vector.extract_strided_slice %transpose3A_389 {offsets = [0, 1408], sizes = [64, 128], strides = [1, 1]} : vector<64x2048xf32> to vector<64x128xf32>
    %reshape3A_590 = vector.shape_cast %slice3A_589 : vector<64x128xf32> to vector<8x8x128xf32>
    %swap3A_591 = arith.constant 0 : index
    %swap3A_592 = arith.constant 23 : index
    %swap3A_593 = arith.constant 0 : index
    %swap3A_594 = arith.constant 0 : index
    %swap3A_595 = vector.load %arg8[%swap3A_591, %swap3A_592, %swap3A_593, %swap3A_594] : memref<8x32x8x128xf32, #tpu.memory_space<vmem>>, vector<8x1x8x128xf32>
    %swap3A_596 = vector.shape_cast %swap3A_595 : vector<8x1x8x128xf32> to vector<8x8x128xf32>
    %swap3A_597 = vector.shape_cast %reshape3A_590 : vector<8x8x128xf32> to vector<8x1x8x128xf32>
    tpu.vector_store %arg8[%swap3A_591, %swap3A_592, %swap3A_593, %swap3A_594], %swap3A_597 {strides = array<i32>} : memref<8x32x8x128xf32, #tpu.memory_space<vmem>>, vector<8x1x8x128xf32>,
    %slice3A_598 = vector.extract_strided_slice %transpose3A_390 {offsets = [0, 1408], sizes = [64, 128], strides = [1, 1]} : vector<64x2048xf32> to vector<64x128xf32>
    %reshape3A_599 = vector.shape_cast %slice3A_598 : vector<64x128xf32> to vector<8x8x128xf32>
    %swap3A_600 = arith.constant 0 : index
    %swap3A_601 = arith.constant 23 : index
    %swap3A_602 = arith.constant 0 : index
    %swap3A_603 = arith.constant 0 : index
    %swap3A_604 = vector.load %arg9[%swap3A_600, %swap3A_601, %swap3A_602, %swap3A_603] : memref<8x32x8x128xf32, #tpu.memory_space<vmem>>, vector<8x1x8x128xf32>
    %swap3A_605 = vector.shape_cast %swap3A_604 : vector<8x1x8x128xf32> to vector<8x8x128xf32>
    %swap3A_606 = vector.shape_cast %reshape3A_599 : vector<8x8x128xf32> to vector<8x1x8x128xf32>
    tpu.vector_store %arg9[%swap3A_600, %swap3A_601, %swap3A_602, %swap3A_603], %swap3A_606 {strides = array<i32>} : memref<8x32x8x128xf32, #tpu.memory_space<vmem>>, vector<8x1x8x128xf32>,
    %slice3A_607 = vector.extract_strided_slice %transpose3A_389 {offsets = [0, 1536], sizes = [64, 128], strides = [1, 1]} : vector<64x2048xf32> to vector<64x128xf32>
    %reshape3A_608 = vector.shape_cast %slice3A_607 : vector<64x128xf32> to vector<8x8x128xf32>
    %swap3A_609 = arith.constant 0 : index
    %swap3A_610 = arith.constant 28 : index
    %swap3A_611 = arith.constant 0 : index
    %swap3A_612 = arith.constant 0 : index
    %swap3A_613 = vector.load %arg8[%swap3A_609, %swap3A_610, %swap3A_611, %swap3A_612] : memref<8x32x8x128xf32, #tpu.memory_space<vmem>>, vector<8x1x8x128xf32>
    %swap3A_614 = vector.shape_cast %swap3A_613 : vector<8x1x8x128xf32> to vector<8x8x128xf32>
    %swap3A_615 = vector.shape_cast %reshape3A_608 : vector<8x8x128xf32> to vector<8x1x8x128xf32>
    tpu.vector_store %arg8[%swap3A_609, %swap3A_610, %swap3A_611, %swap3A_612], %swap3A_615 {strides = array<i32>} : memref<8x32x8x128xf32, #tpu.memory_space<vmem>>, vector<8x1x8x128xf32>,
    %slice3A_616 = vector.extract_strided_slice %transpose3A_390 {offsets = [0, 1536], sizes = [64, 128], strides = [1, 1]} : vector<64x2048xf32> to vector<64x128xf32>
    %reshape3A_617 = vector.shape_cast %slice3A_616 : vector<64x128xf32> to vector<8x8x128xf32>
    %swap3A_618 = arith.constant 0 : index
    %swap3A_619 = arith.constant 28 : index
    %swap3A_620 = arith.constant 0 : index
    %swap3A_621 = arith.constant 0 : index
    %swap3A_622 = vector.load %arg9[%swap3A_618, %swap3A_619, %swap3A_620, %swap3A_621] : memref<8x32x8x128xf32, #tpu.memory_space<vmem>>, vector<8x1x8x128xf32>
    %swap3A_623 = vector.shape_cast %swap3A_622 : vector<8x1x8x128xf32> to vector<8x8x128xf32>
    %swap3A_624 = vector.shape_cast %reshape3A_617 : vector<8x8x128xf32> to vector<8x1x8x128xf32>
    tpu.vector_store %arg9[%swap3A_618, %swap3A_619, %swap3A_620, %swap3A_621], %swap3A_624 {strides = array<i32>} : memref<8x32x8x128xf32, #tpu.memory_space<vmem>>, vector<8x1x8x128xf32>,
    %slice3A_625 = vector.extract_strided_slice %transpose3A_389 {offsets = [0, 1664], sizes = [64, 128], strides = [1, 1]} : vector<64x2048xf32> to vector<64x128xf32>
    %reshape3A_626 = vector.shape_cast %slice3A_625 : vector<64x128xf32> to vector<8x8x128xf32>
    %swap3A_627 = arith.constant 0 : index
    %swap3A_628 = arith.constant 29 : index
    %swap3A_629 = arith.constant 0 : index
    %swap3A_630 = arith.constant 0 : index
    %swap3A_631 = vector.load %arg8[%swap3A_627, %swap3A_628, %swap3A_629, %swap3A_630] : memref<8x32x8x128xf32, #tpu.memory_space<vmem>>, vector<8x1x8x128xf32>
    %swap3A_632 = vector.shape_cast %swap3A_631 : vector<8x1x8x128xf32> to vector<8x8x128xf32>
    %swap3A_633 = vector.shape_cast %reshape3A_626 : vector<8x8x128xf32> to vector<8x1x8x128xf32>
    tpu.vector_store %arg8[%swap3A_627, %swap3A_628, %swap3A_629, %swap3A_630], %swap3A_633 {strides = array<i32>} : memref<8x32x8x128xf32, #tpu.memory_space<vmem>>, vector<8x1x8x128xf32>,
    %slice3A_634 = vector.extract_strided_slice %transpose3A_390 {offsets = [0, 1664], sizes = [64, 128], strides = [1, 1]} : vector<64x2048xf32> to vector<64x128xf32>
    %reshape3A_635 = vector.shape_cast %slice3A_634 : vector<64x128xf32> to vector<8x8x128xf32>
    %swap3A_636 = arith.constant 0 : index
    %swap3A_637 = arith.constant 29 : index
    %swap3A_638 = arith.constant 0 : index
    %swap3A_639 = arith.constant 0 : index
    %swap3A_640 = vector.load %arg9[%swap3A_636, %swap3A_637, %swap3A_638, %swap3A_639] : memref<8x32x8x128xf32, #tpu.memory_space<vmem>>, vector<8x1x8x128xf32>
    %swap3A_641 = vector.shape_cast %swap3A_640 : vector<8x1x8x128xf32> to vector<8x8x128xf32>
    %swap3A_642 = vector.shape_cast %reshape3A_635 : vector<8x8x128xf32> to vector<8x1x8x128xf32>
    tpu.vector_store %arg9[%swap3A_636, %swap3A_637, %swap3A_638, %swap3A_639], %swap3A_642 {strides = array<i32>} : memref<8x32x8x128xf32, #tpu.memory_space<vmem>>, vector<8x1x8x128xf32>,
    %slice3A_643 = vector.extract_strided_slice %transpose3A_389 {offsets = [0, 1792], sizes = [64, 128], strides = [1, 1]} : vector<64x2048xf32> to vector<64x128xf32>
    %reshape3A_644 = vector.shape_cast %slice3A_643 : vector<64x128xf32> to vector<8x8x128xf32>
    %swap3A_645 = arith.constant 0 : index
    %swap3A_646 = arith.constant 30 : index
    %swap3A_647 = arith.constant 0 : index
    %swap3A_648 = arith.constant 0 : index
    %swap3A_649 = vector.load %arg8[%swap3A_645, %swap3A_646, %swap3A_647, %swap3A_648] : memref<8x32x8x128xf32, #tpu.memory_space<vmem>>, vector<8x1x8x128xf32>
    %swap3A_650 = vector.shape_cast %swap3A_649 : vector<8x1x8x128xf32> to vector<8x8x128xf32>
    %swap3A_651 = vector.shape_cast %reshape3A_644 : vector<8x8x128xf32> to vector<8x1x8x128xf32>
    tpu.vector_store %arg8[%swap3A_645, %swap3A_646, %swap3A_647, %swap3A_648], %swap3A_651 {strides = array<i32>} : memref<8x32x8x128xf32, #tpu.memory_space<vmem>>, vector<8x1x8x128xf32>,
    %slice3A_652 = vector.extract_strided_slice %transpose3A_390 {offsets = [0, 1792], sizes = [64, 128], strides = [1, 1]} : vector<64x2048xf32> to vector<64x128xf32>
    %reshape3A_653 = vector.shape_cast %slice3A_652 : vector<64x128xf32> to vector<8x8x128xf32>
    %swap3A_654 = arith.constant 0 : index
    %swap3A_655 = arith.constant 30 : index
    %swap3A_656 = arith.constant 0 : index
    %swap3A_657 = arith.constant 0 : index
    %swap3A_658 = vector.load %arg9[%swap3A_654, %swap3A_655, %swap3A_656, %swap3A_657] : memref<8x32x8x128xf32, #tpu.memory_space<vmem>>, vector<8x1x8x128xf32>
    %swap3A_659 = vector.shape_cast %swap3A_658 : vector<8x1x8x128xf32> to vector<8x8x128xf32>
    %swap3A_660 = vector.shape_cast %reshape3A_653 : vector<8x8x128xf32> to vector<8x1x8x128xf32>
    tpu.vector_store %arg9[%swap3A_654, %swap3A_655, %swap3A_656, %swap3A_657], %swap3A_660 {strides = array<i32>} : memref<8x32x8x128xf32, #tpu.memory_space<vmem>>, vector<8x1x8x128xf32>,
    %slice3A_661 = vector.extract_strided_slice %transpose3A_389 {offsets = [0, 1920], sizes = [64, 128], strides = [1, 1]} : vector<64x2048xf32> to vector<64x128xf32>
    %reshape3A_662 = vector.shape_cast %slice3A_661 : vector<64x128xf32> to vector<8x8x128xf32>
    %swap3A_663 = arith.constant 0 : index
    %swap3A_664 = arith.constant 31 : index
    %swap3A_665 = arith.constant 0 : index
    %swap3A_666 = arith.constant 0 : index
    %swap3A_667 = vector.load %arg8[%swap3A_663, %swap3A_664, %swap3A_665, %swap3A_666] : memref<8x32x8x128xf32, #tpu.memory_space<vmem>>, vector<8x1x8x128xf32>
    %swap3A_668 = vector.shape_cast %swap3A_667 : vector<8x1x8x128xf32> to vector<8x8x128xf32>
    %swap3A_669 = vector.shape_cast %reshape3A_662 : vector<8x8x128xf32> to vector<8x1x8x128xf32>
    tpu.vector_store %arg8[%swap3A_663, %swap3A_664, %swap3A_665, %swap3A_666], %swap3A_669 {strides = array<i32>} : memref<8x32x8x128xf32, #tpu.memory_space<vmem>>, vector<8x1x8x128xf32>,
    %slice3A_670 = vector.extract_strided_slice %transpose3A_390 {offsets = [0, 1920], sizes = [64, 128], strides = [1, 1]} : vector<64x2048xf32> to vector<64x128xf32>
    %reshape3A_671 = vector.shape_cast %slice3A_670 : vector<64x128xf32> to vector<8x8x128xf32>
    %swap3A_672 = arith.constant 0 : index
    %swap3A_673 = arith.constant 31 : index
    %swap3A_674 = arith.constant 0 : index
    %swap3A_675 = arith.constant 0 : index
    %swap3A_676 = vector.load %arg9[%swap3A_672, %swap3A_673, %swap3A_674, %swap3A_675] : memref<8x32x8x128xf32, #tpu.memory_space<vmem>>, vector<8x1x8x128xf32>
    %swap3A_677 = vector.shape_cast %swap3A_676 : vector<8x1x8x128xf32> to vector<8x8x128xf32>
    %swap3A_678 = vector.shape_cast %reshape3A_671 : vector<8x8x128xf32> to vector<8x1x8x128xf32>
    tpu.vector_store %arg9[%swap3A_672, %swap3A_673, %swap3A_674, %swap3A_675], %swap3A_678 {strides = array<i32>} : memref<8x32x8x128xf32, #tpu.memory_space<vmem>>, vector<8x1x8x128xf32>,
    return
  }
  func.func @transform_0(%arg0: i32) -> (i32, i32) {
    %c0_i32 = arith.constant 0 : i32
    %c0_i32_0 = arith.constant 0 : i32
    return %arg0, %c0_i32 : i32, i32
  }
  func.func @transform_1(%arg0: i32) -> (i32, i32) {
    %c0_i32 = arith.constant 0 : i32
    %c0_i32_0 = arith.constant 0 : i32
    return %arg0, %c0_i32 : i32, i32
  }
  func.func @transform_2(%arg0: i32) -> (i32, i32) {
    %c0_i32 = arith.constant 0 : i32
    %c0_i32_0 = arith.constant 0 : i32
    %c0_i32_1 = arith.constant 0 : i32
    return %c0_i32, %c0_i32_0 : i32, i32
  }
  func.func @transform_3(%arg0: i32) -> (i32, i32) {
    %c0_i32 = arith.constant 0 : i32
    %c0_i32_0 = arith.constant 0 : i32
    %c0_i32_1 = arith.constant 0 : i32
    return %c0_i32, %c0_i32_0 : i32, i32
  }
  func.func @transform_4(%arg0: i32) -> (i32, i32) {
    %c0_i32 = arith.constant 0 : i32
    %c0_i32_0 = arith.constant 0 : i32
    %c0_i32_1 = arith.constant 0 : i32
    return %c0_i32, %c0_i32_0 : i32, i32
  }
  func.func @transform_5(%arg0: i32) -> (i32, i32) {
    %c0_i32 = arith.constant 0 : i32
    %c0_i32_0 = arith.constant 0 : i32
    %c0_i32_1 = arith.constant 0 : i32
    return %c0_i32, %c0_i32_0 : i32, i32
  }
  func.func @transform_6(%arg0: i32) -> (i32, i32) {
    %c0_i32 = arith.constant 0 : i32
    %c0_i32_0 = arith.constant 0 : i32
    return %c0_i32, %arg0 : i32, i32
  }
  func.func @transform_7(%arg0: i32) -> (i32, i32, i32, i32) {
    %c0_i32 = arith.constant 0 : i32
    %c0_i32_0 = arith.constant 0 : i32
    %c0_i32_1 = arith.constant 0 : i32
    %c0_i32_2 = arith.constant 0 : i32
    return %c0_i32, %arg0, %c0_i32_0, %c0_i32_1 : i32, i32, i32, i32
  }
  func.func @transform_8(%arg0: i32) -> (i32, i32, i32, i32) {
    %c0_i32 = arith.constant 0 : i32
    %c0_i32_0 = arith.constant 0 : i32
    %c0_i32_1 = arith.constant 0 : i32
    %c0_i32_2 = arith.constant 0 : i32
    return %c0_i32, %arg0, %c0_i32_0, %c0_i32_1 : i32, i32, i32, i32
  }
}

</mosaic_0001>

<sc_bundles>
// kernel: kernel.5.cloned.1.call-start
scs
__scs_entry_jumppad:
0x0: {  	(pc) =	sbr.rel $0x88, $3  }
0x1: {  	(tag) =	ssettag $0x0;
	lr =	simm.s32 $0x1  }
0x2: {  	[smem:$0x3F9B] =	sst lr;
	_ =	strace $0xD0000000  }
0x3: {  	_ = 	snop  }
0x4: {  	_ = 	snop  }
0x5: {  	_ = 	snop  }
0x6: {  	_ = 	snop  }
0x7: {  	_ = 	snop  }
__scs_overlays_trampoline_lowered:
0x8: {  	[smem:$0x3FAA] =	sst s0  }
0x9: {  	[smem:$0x3FAB] =	sst s1  }
0xa: {  	[smem:$0x3FAC] =	sst s2  }
0xb: {  	[smem:$0x3FAD] =	sst s3  }
0xc: {  	[smem:$0x3FAE] =	sst s4  }
0xd: {  	[smem:$0x3FAF] =	sst s5  }
0xe: {  	[smem:$0x3FB0] =	sst s6  }
0xf: {  	[smem:$0x3FB1] =	sst s7  }
0x10: {  	[smem:$0x3FB2] =	sst s8  }
0x11: {  	[smem:$0x3FB3] =	sst s9;
	s0 =	simm.s32 @!p0 $0x0  }
0x12: {  	s1 =	sld [smem:$0x3F99];
	s0 =	simm.s32 @p0 $0x1  }
0x13: {  	[smem:$0x3FB4] =	sst s0;
	s0 =	simm.s32 @!p1 $0x0  }
0x14: {  	s2 =	sld [smem:$0x3F98];
	s0 =	simm.s32 @p1 $0x1  }
0x15: {  	[smem:$0x3FB5] =	sst s0;
	s0 =	simm.s32 @!p2 $0x0  }
0x16: {  	s3 =	sld [smem:$0x3FDB];
	s0 =	simm.s32 @p2 $0x1  }
0x17: {  	s4 =	simm.s32 $0x1BF5;
	[smem:$0x3FB7] =	sst s0  }
0x18: {  	s0 =	sld [smem:$0x3F9A];
	_ =	swait.ge [sflag:s4], $0x0  }
0x19: {  	s7 =	sld [smem:$0x3F9B]  }
0x1a: {  	s8 =	sadd.s32 $0xFFFFE003, lr  }
0x1b: {  	s9 =	sadd.s32 $0xFFFFFEF7, lr;
	s5 =	simm.s32 $0xFFFFFFFF;
	p2 =	slt.u32 s8, $0xFFFFF086  }
0x1c: {  	p1 =	slt.u32 s9, $0xF7A;
	s5 =	simm.s32 @!p2 $0x0  }
0x1d: {  	s5 =	simm.s32 @p1 $0x1;
	p0 =	seq.s32 s7, s2  }
0x1e: {  	s7 =	smul.u32 @!p0 $0xF7A, s2;
	p2 =	seq.s32 @!p0 s5, $0x0  }
0x1f: {  	s9 =	smul.u32 $0xF7A, s1;
	s8 =	simm.s32 @!p0 $0x1BF5;
	p2 =	por !p2, p0  }
0x20: {  	[sflag:s8] =	ssyncset.s32 @!p0 $0xFFFFF086;
	s6 =	sadd.s32 @!p0 s3, s7;
	s7 =	simm.s32 @!p0 $0x108  }
0x21: {  	s3 =	sadd.s32 s3, s9;
	s6 =	sadd.s32 @!p0 $0x88, s6;
	s7 =	simm.s32 @p2 $0x1082  }
0x22: {  	[simem:s7], [sflag:s8] =	dma.local @!p0 [hbm:s6], $0xF7A  }
0x23: {  	s9 =	sor.u32 $0xD0000000, s2;
	s6 =	simm.s32 $0x108;
	_ =	swait.ge @!p0 [sflag:s8], $0x0  }
0x24: {  	s3 =	sadd.s32 $0x88, s3;
	s6 =	simm.s32 @!p1 $0x1082;
	[sflag:s4] =	ssyncset.s32 $0xFFFFF086  }
0x25: {  	[simem:s6], [sflag:s4] =	dma.local [hbm:s3], $0xF7A  }
0x26: {  	[smem:$0x3F9B] =	sst s1;
	(tag) =	ssettag s2;
	_ =	strace s9  }
0x27: {  	s1 =	sld [smem:$0x3FAB]  }
0x28: {  	s2 =	sld [smem:$0x3FAC]  }
0x29: {  	s4 =	sld [smem:$0x3FAE]  }
0x2a: {  	p0 =	seq.s32 s5, $0x0;
	s5 =	sld [smem:$0x3FAF]  }
0x2b: {  	s6 =	sld [smem:$0x3FB0]  }
0x2c: {  	s7 =	sld [smem:$0x3FB1]  }
0x2d: {  	s3 =	simm.s32 $0x108;
	s8 =	sld [smem:$0x3FB2]  }
0x2e: {  	s3 =	simm.s32 @!p0 $0x1082;
	s9 =	sld [smem:$0x3FB3]  }
0x2f: {  	lr =	sadd.s32 s0, s3;
	s0 =	sld [smem:$0x3FAA]  }
0x30: {  	s3 =	sld [smem:$0x3FAD]  }
0x31: {  	[smem:$0x3FB6] =	sst s10  }
0x32: {  	s10 =	sld [smem:$0x3FB4];
	_ =	sdelay $0x3  }
0x33: {  	p0 =	seq.s32 s10, $0x1;
	s10 =	sld [smem:$0x3FB6];
	_ =	sdelay $0x3  }
0x34: {  	[smem:$0x3FB6] =	sst s10  }
0x35: {  	s10 =	sld [smem:$0x3FB5];
	_ =	sdelay $0x3  }
0x36: {  	p1 =	seq.s32 s10, $0x1;
	s10 =	sld [smem:$0x3FB6];
	_ =	sdelay $0x3  }
0x37: {  	[smem:$0x3FB6] =	sst s10  }
0x38: {  	s10 =	sld [smem:$0x3FB7]  }
0x39: {  	_ = 	snop;
	(pc) =	sbr.ind lr, $3  }
0x3a: {  	_ = 	snop  }
0x3b: {  	_ = 	snop  }
0x3c: {  	p2 =	seq.s32 s10, $0x1;
	s10 =	sld [smem:$0x3FB6]  }
0x3d: {  	_ =	shalt  }
0x3e: {  	_ =	shalt  }
0x3f: {  	_ =	shalt  }
0x40: {  	_ =	shalt  }
0x41: {  	_ =	shalt  }
0x42: {  	_ =	shalt  }
0x43: {  	_ =	shalt  }
0x44: {  	_ =	shalt  }
0x45: {  	_ =	shalt  }
0x46: {  	_ =	shalt  }
0x47: {  	_ =	shalt  }
0x48: {  	_ =	shalt  }
0x49: {  	_ =	shalt  }
0x4a: {  	_ =	shalt  }
0x4b: {  	_ =	shalt  }
0x4c: {  	_ =	shalt  }
0x4d: {  	_ =	shalt  }
0x4e: {  	_ =	shalt  }
0x4f: {  	_ =	shalt  }
0x50: {  	_ =	shalt  }
0x51: {  	_ =	shalt  }
0x52: {  	_ =	shalt  }
0x53: {  	_ =	shalt  }
0x54: {  	_ =	shalt  }
0x55: {  	_ =	shalt  }
0x56: {  	_ =	shalt  }
0x57: {  	_ =	shalt  }
0x58: {  	_ =	shalt  }
0x59: {  	_ =	shalt  }
0x5a: {  	_ =	shalt  }
0x5b: {  	_ =	shalt  }
0x5c: {  	_ =	shalt  }
0x5d: {  	_ =	shalt  }
0x5e: {  	_ =	shalt  }
0x5f: {  	_ =	shalt  }
0x60: {  	_ =	shalt  }
0x61: {  	_ =	shalt  }
0x62: {  	_ =	shalt  }
0x63: {  	_ =	shalt  }
0x64: {  	_ =	shalt  }
0x65: {  	_ =	shalt  }
0x66: {  	_ =	shalt  }
0x67: {  	_ =	shalt  }
0x68: {  	_ =	shalt  }
0x69: {  	_ =	shalt  }
0x6a: {  	_ =	shalt  }
0x6b: {  	_ =	shalt  }
0x6c: {  	_ =	shalt  }
0x6d: {  	_ =	shalt  }
0x6e: {  	_ =	shalt  }
0x6f: {  	_ =	shalt  }
0x70: {  	_ =	shalt  }
0x71: {  	_ =	shalt  }
0x72: {  	_ =	shalt  }
0x73: {  	_ =	shalt  }
0x74: {  	_ =	shalt  }
0x75: {  	_ =	shalt  }
0x76: {  	_ =	shalt  }
0x77: {  	_ =	shalt  }
0x78: {  	_ =	shalt  }
0x79: {  	_ =	shalt  }
0x7a: {  	_ =	shalt  }
0x7b: {  	_ =	shalt  }
0x7c: {  	_ =	shalt  }
0x7d: {  	_ =	shalt  }
0x7e: {  	_ =	shalt  }
0x7f: {  	_ =	shalt  }
0x80: {  	_ =	shalt  }
0x81: {  	_ =	shalt  }
0x82: {  	_ =	shalt  }
0x83: {  	_ =	shalt  }
0x84: {  	_ =	shalt  }
0x85: {  	_ =	shalt  }
0x86: {  	_ =	shalt  }
0x87: {  	_ =	shalt  }
.Lfunc_end0:
.L_simem_size_0:
called_computation_lowered:
.L_overlay_start_0:
0x88: {  	s2 =	sld [smem:$0x3FD9]  }
0x89: {  	s3 =	sld [smem:$0x3FFE];
	_ =	sdelay $0x1  }
0x8a: {  	s1 =	srdreg.scid  }
0x8b: {  	s0 =	sand.u32 $0x1, s1  }
0x8c: {  	s15 =	sshll.u32 s0, $0xA;
	s2 =	sadd.s32 s3, s2  }
0x8d: {  	s2 =	sadd.s32 s2, s15  }
0x8e: {  	[smem:$0x3FC2] =	sst s2  }
0x8f: {  	_ = 	snop  }
0x90: {  	s2 =	sld [smem:$0x3FD0];
	_ =	sdelay $0x2  }
0x91: {  	s16 =	simm.s32 $0xB;
	s4 =	simm.s32 $0x10  }
0x92: {  	[smem:s4], [sflag:s16] =	dma.local [hbm:s2], $0x1  }
0x93: {  	_ =	swait.eq [sflag:s16], $0x1  }
0x94: {  	[sflag:s16] =	ssyncset.done $0x0  }
0x95: {  	[sflag:s16] =	ssyncadd.s32 $0xFFFFFFFF  }
0x96: {  	s17 =	sld [smem:$0x12];
	(tm) =	ssettm $0x1  }
0x97: {  	s18 =	sld [smem:$0x3FFB];
	_ =	sdelay $0x3  }
0x98: {  	_ =	strace s18  }
0x99: {  	s2 =	sld [smem:$0x3FFC];
	_ =	sdelay $0x3  }
0x9a: {  	_ =	strace s2  }
0x9b: {  	s2 =	sld [smem:$0x3FFD];
	_ =	sdelay $0x3  }
0x9c: {  	_ =	strace s2  }
0x9d: {  	_ =	strace $0x8FFFFFFF  }
0x9e: {  	s19 =	sld [smem:$0x3FDB];
	_ =	sdelay $0x1  }
0x9f: {  	s20 =	simm.s32 $_scs_section_size  }
0xa0: {  	s5 =	simm.s32 $_size__tile_overlayer_lowered;
	s6 =	simm.s32 $_tile_overlayer_lowered  }
0xa1: {  	s7 =	simm.s32 $0x1BFF;
	s21 =	sshll.u32 s6, $0x1;
	s4 =	sadd.s32 s20, s19  }
0xa2: {  	s22 =	simm.s32 $0x0;
	s5 =	sshll.u32 s5, $0x1;
	s6 =	sadd.s32 s21, s4  }
0xa3: {  	[timem:s22], [sflag:s7] =	dma.local [hbm:s6], s5  }
0xa4: {  	_ =	swait.ge [sflag:s7], s5  }
0xa5: {  	s5 =	ssub.s32 $0x0, s5;
	[sflag:s7] =	ssyncset.done $0x0  }
0xa6: {  	[sflag:s7] =	ssyncadd.s32 s5;
	_ =	sdelay $0x1  }
0xa7: {  	s23 =	simm.s32 $0x1B8B  }
0xa8: {  	_ =	swait.ge [sflag:s23], $0x1  }
0xa9: {  	[sflag:s23] =	ssyncset.done $0x0  }
0xaa: {  	[sflag:s23] =	ssyncadd.s32 $0xFFFFFFFF  }
0xab: {  	s5 =	sld [smem:$0x0]  }
0xac: {  	s6 =	sand.u32 $0xFFFFFFFE, s1  }
0xad: {  	p0 =	sne.s32 s1, s6  }
0xae: {  	s6 =	sshll.u32 @p0 s6, $0xE  }
0xaf: {  	s6 =	sadd.s32 @p0 $0x11B8D, s6;
	s7 =	sshll.u32 @p0 s5, $0x11  }
0xb0: {  	s6 =	sor.u32 @p0 s7, s6  }
0xb1: {  	[sflag:s6] =	ssyncadd.remote.s32 @p0 $0x1;
	_ =	sdelay $0x1  }
0xb2: {  	s6 =	simm.s32 @p0 $0x1B8D  }
0xb3: {  	_ =	swait.eq @p0 [sflag:s6], $0x1  }
0xb4: {  	[sflag:s6] =	ssyncadd.s32 @p0 $0xFFFFFFFF  }
0xb5: {  	s7 =	sshll.u32 @!p0 s1, $0xE  }
0xb6: {  	s7 =	sor.u32 @!p0 $0x4000, s7;
	s6 =	simm.s32 @!p0 $0x1B8D  }
0xb7: {  	s5 =	sshll.u32 @!p0 s5, $0x11;
	s7 =	sadd.s32 @!p0 $0x11B8D, s7;
	_ =	swait.eq @!p0 [sflag:s6], $0x1  }
0xb8: {  	s5 =	sor.u32 @!p0 s5, s7;
	[sflag:s6] =	ssyncadd.s32 @!p0 $0xFFFFFFFF  }
0xb9: {  	s25 =	simm.s32 $0x1B8E;
	s24 =	sld [smem:$0x3FFE];
	[sflag:s5] =	ssyncadd.remote.s32 @!p0 $0x1  }
0xba: {  	s26 =	simm.s32 $execute0_lowered;
	[smem:$0x3FD2] =	sst s25  }
0xbb: {  	s6 =	sshll.u32 s26, $0x1;
	_ =	strace $0x80000049;
	[dreg:$0x1] =	wrdreg $0xFFFFFFFF  }
0xbc: {  	s28 =	simm.s32 $_size_execute0_lowered;
	s4 =	sadd.s32 s4, s6;
	[dreg:$0x0] =	wrdreg $0x0  }
0xbd: {  	s6 =	sshll.u32 s28, $0x1;
	[dreg:$0x2] =	wrdreg s4  }
0xbe: {  	[dreg:$0x3] =	wrdreg s6  }
0xbf: {  	[dreg:$0x4] =	wrdreg $0xC0  }
0xc0: {  	_ =	task [dreg:s22], $0x5FFFF  }
0xc1: {  	[dreg:$0x1] =	wrdreg $0xFFFFFFFF  }
0xc2: {  	[dreg:$0x0] =	wrdreg $0x60  }
0xc3: {  	[dreg:$0x2] =	wrdreg s24  }
0xc4: {  	[dreg:$0x3] =	wrdreg s17  }
0xc5: {  	[dreg:$0x4] =	wrdreg $0x9  }
0xc6: {  	_ =	task.clear_ibuf [dreg:s22], $0x5FFFF;
	_ =	strace $0x90000049  }
0xc7: {  	s29 =	simm.s32 $0x9;
	_ =	strace $0x8000004B  }
0xc8: {  	_ =	swait.ge [sflag:s29], $0x1  }
0xc9: {  	[sflag:s29] =	ssyncadd.s32 $0xFFFFFFFF  }
0xca: {  	_ =	strace $0x9000004B  }
0xcb: {  	_ =	sfence  }
0xcc: {  	s30 =	sld [smem:$0x0];
	_ =	sdelay $0x2  }
0xcd: {  	s31 =	sshll.u32 s1, $0xD;
	s1 =	sshrl.u32 s1, $0x2  }
0xce: {  	s4 =	sand.u32 $0x4000, s31;
	s1 =	sadd.s32 s1, s30  }
0xcf: {  	s0 =	sor.u32 s4, s0;
	s1 =	sshll.u32 s1, $0x11  }
0xd0: {  	s0 =	sor.u32 s1, s0  }
0xd1: {  	s0 =	sadd.s32 $0x8F2B, s0  }
0xd2: {  	[sflag:s0] =	ssyncadd.remote.s32 $0x1  }
0xd3: {  	_ =	sfence.sel $0xFFFF  }
0xd4: {  	[dreg:$0x0] =	wrdreg $0xFFFFFFFF;
	(pc) =	sbr.abs _section_cstart, $3  }
0xd5: {  	[dreg:$0x1] =	wrdreg $0xFFFFFFFF  }
0xd6: {  	_ =	task.clear_ibuf [dreg:s22], $0x2FFFF;
	_ =	strace $0x9FFFFFFF  }
0xd7: {  	(tm) =	ssettm $0x7FFFFFFF  }
tec
execute0_lowered:
.L_overlay_start_1:
0x0: {  	(tag) =	ssettag $0x1  }
0x1: {  	s3 =	rddreg [dreg:$0x0]  }
0x2: {  	s8 =	rddreg [dreg:$0x1]  }
0x3: {  	s0 =	rddreg [dreg:$0x2]  }
0x4: {  	s4 =	srdreg.scid;
	s1 =	stileid.u32  }
0x5: {  	s2 =	simm.s32 $0x0;
	s11 =	simm.s32 $0x1;
	s6 =	simm.s32 $0x1  }
0x6: {  	s7 =	sand.u32 $0x1, s4;
	s29 =	sshll.u32 s1, $0x1;
	[smem:$0x7FF] =	sst s2  }
0x7: {  	s4 =	sor.u32 s7, s29;
	_ =	strace $0x8000004A;
	p1 =	seq.s32 s7, $0x1  }
0x8: {  	s9 =	ssub.s32 $0x2, s7;
	s7 =	sshll.u32 s7, $0x6;
	p0 =	seq.s32 s4, $0x0  }
0x9: {  	s5 =	sshll.u32 s4, $0x6;
	s10 =	sshrl.u32 s9, $0x1;
	p0 =	por !p0, !p1  }
0xa: {  	s5 =	sadd.s32 s5, s3;
	s3 =	sadd.s32 $0x24DC00, s3;
	p0 =	por !p0, !p0  }
0xb: {  	s4 =	sadd.s32 $0x3400, s5;
	s5 =	simm.s32 $0x2;
	s11 =	simm.s32 @!p0 $0x0  }
0xc: {  	[tilespmem:s2], [sflag:$0x2] =	stream.linear.gather [hbm4b:s4+s2], $0x200, $0x38;
	[tilespmem:$0x8200] =	vst v63  }
0xd: {  	s9 =	ssub.s32 s9, s10;
	s11 =	ssub.s32 s1, s11;
	_ =	swait.ge [sflag:s5], $0x200  }
0xe: {  	s31 =	smax.u32 s9, $0x1;
	s11 =	sshll.u32 s11, $0x10;
	[sflag:s5] =	ssyncset.done $0x0  }
0xf: {  	s11 =	sor.u32 s7, s11;
	s7 =	simm.s32 $0x200;
	[sflag:s5] =	ssyncadd.s32 $0xFFFFFE00  }
0x10: {  	[tilespmem:s7], [sflag:$0x1] =	stream.indirect.gather [hbm4b:s3+s7], $0x40, s2, s7, $0xb8;
	[tilespmem:$0x8200] =	vst v63  }
0x11: {  	s10 =	simm.s32 $0x80;
	p0 =	sne.s32 s31, $0x1;
	_ =	swait.ge [sflag:s6], $0x8000  }
.Ltmp0:
0x12: {  	s30 =	sshrl.u32 s11, $0x3;
	[sflag:s6] =	ssyncset.done $0x0;
	(pc) =	sbr.rel @!p0 .LBB2_2-.Ltmp0, $4  }
0x13: {  	s9 =	simm.s32 $0x40;
	s8 =	sadd.s32 s8, s30;
	[sflag:s6] =	ssyncadd.s32 $0xFFFF8000  }
0x14: {  	[hbm4b:s8+s9] =	stream.strided.scatter [tilespmem:s7], [sflag:$0x2], $0x8000, s10, s9, $0x38;
	[tilespmem:$0x8200] =	vst v63  }
0x15: {  	_ =	swait.ge [sflag:s5], $0x8000  }
0x16: {  	s11 =	sadd.s32 $0xFFFFFFFF, s31;
	[sflag:s5] =	ssyncset.done $0x0  }
.LBB2_1:
0x17: {  	p0 =	sne.s32 s11, $0x1;
	s11 =	sadd.s32 $0xFFFFFFFF, s11;
	[sflag:s5] =	ssyncadd.s32 $0xFFFF8000  }
0x18: {  	[tilespmem:s2], [sflag:$0x2] =	stream.linear.gather [hbm4b:s4+s2], $0x200, $0x38;
	[tilespmem:$0x8200] =	vst v63  }
0x19: {  	_ =	swait.ge [sflag:s5], $0x200  }
0x1a: {  	[sflag:s5] =	ssyncset.done $0x0  }
0x1b: {  	[sflag:s5] =	ssyncadd.s32 $0xFFFFFE00  }
0x1c: {  	[tilespmem:s7], [sflag:$0x1] =	stream.indirect.gather [hbm4b:s3+s7], $0x40, s2, s7, $0xb8;
	[tilespmem:$0x8200] =	vst v63  }
0x1d: {  	_ =	swait.ge [sflag:s6], $0x8000  }
.Ltmp1:
0x1e: {  	[sflag:s6] =	ssyncset.done $0x0;
	(pc) =	sbr.rel @p0 .LBB2_1-.Ltmp1, $4  }
0x1f: {  	[sflag:s6] =	ssyncadd.s32 $0xFFFF8000  }
0x20: {  	[hbm4b:s8+s9] =	stream.strided.scatter [tilespmem:s7], [sflag:$0x2], $0x8000, s10, s9, $0x38;
	[tilespmem:$0x8200] =	vst v63  }
0x21: {  	_ =	swait.ge [sflag:s5], $0x8000  }
0x22: {  	[sflag:s5] =	ssyncset.done $0x0  }
.LBB2_2:
0x23: {  	[sflag:s5] =	ssyncadd.s32 $0xFFFF8000  }
0x24: {  	_ =	sfence.sel $0x180000  }
0x25: {  	[bflag:$0x0] =	sbarrier.arrive $0xFFFF  }
0x26: {  	p0 =	sne.s32 s1, $0x0;
	_ =	strace $0x9000004A  }
0x27: {  	s0 =	sadd.s32 @!p0 $0x100000, s0;
	[bflag:$0x2] =	sbarrier.arrive $0xFFFF  }
0x28: {  	[sflag:s0] =	ssyncadd.tile.s32 @!p0 $0x1;
	_ =	shalt  }
.Lfunc_end2:
_tile_overlayer_lowered:
.L_overlay_start_2:
0x29: {  	(tag) =	ssettag $0x2  }
0x2a: {  	s0 =	rddreg [dreg:$0x0];
	s2 =	stileid.u32  }
0x2b: {  	s1 =	rddreg [dreg:$0x1];
	p0 =	sne.s32 s2, $0x0  }
0x2c: {  	s3 =	rddreg [dreg:$0x2];
	[bflag:$0x3] =	sbarrier.arrive $0xFFFF;
	s2 =	simm.s32 @!p0 $0x1C02  }
0x2d: {  	[timem:s3], [sflag:s2] =	dma.local @!p0 [hbm:s0], s1  }
0x2e: {  	s0 =	simm.s32 @!p0 $0x2  }
0x2f: {  	_ =	swait.ge @!p0 [sflag:s0], s1  }
0x30: {  	s1 =	ssub.s32 @!p0 $0x0, s1;
	[sflag:s0] =	ssyncset.done @!p0 $0x0  }
0x31: {  	[sflag:s0] =	ssyncadd.s32 @!p0 s1  }
0x32: {  	[bflag:$0x3] =	sbarrier.arrive $0xFFFF  }
0x33: {  	_ =	shalt  }

// kernel: kernel.8.cloned.1.call-start
scs
__scs_entry_jumppad:
0x0: {  	(pc) =	sbr.rel $0x88, $3  }
0x1: {  	(tag) =	ssettag $0x0;
	lr =	simm.s32 $0x1  }
0x2: {  	[smem:$0x3F9B] =	sst lr;
	_ =	strace $0xD0000000  }
0x3: {  	_ = 	snop  }
0x4: {  	_ = 	snop  }
0x5: {  	_ = 	snop  }
0x6: {  	_ = 	snop  }
0x7: {  	_ = 	snop  }
__scs_overlays_trampoline_lowered:
0x8: {  	[smem:$0x3FAA] =	sst s0  }
0x9: {  	[smem:$0x3FAB] =	sst s1  }
0xa: {  	[smem:$0x3FAC] =	sst s2  }
0xb: {  	[smem:$0x3FAD] =	sst s3  }
0xc: {  	[smem:$0x3FAE] =	sst s4  }
0xd: {  	[smem:$0x3FAF] =	sst s5  }
0xe: {  	[smem:$0x3FB0] =	sst s6  }
0xf: {  	[smem:$0x3FB1] =	sst s7  }
0x10: {  	[smem:$0x3FB2] =	sst s8  }
0x11: {  	[smem:$0x3FB3] =	sst s9;
	s0 =	simm.s32 @!p0 $0x0  }
0x12: {  	s1 =	sld [smem:$0x3F99];
	s0 =	simm.s32 @p0 $0x1  }
0x13: {  	[smem:$0x3FB4] =	sst s0;
	s0 =	simm.s32 @!p1 $0x0  }
0x14: {  	s2 =	sld [smem:$0x3F98];
	s0 =	simm.s32 @p1 $0x1  }
0x15: {  	[smem:$0x3FB5] =	sst s0;
	s0 =	simm.s32 @!p2 $0x0  }
0x16: {  	s3 =	sld [smem:$0x3FDB];
	s0 =	simm.s32 @p2 $0x1  }
0x17: {  	s4 =	simm.s32 $0x1BF5;
	[smem:$0x3FB7] =	sst s0  }
0x18: {  	s0 =	sld [smem:$0x3F9A];
	_ =	swait.ge [sflag:s4], $0x0  }
0x19: {  	s7 =	sld [smem:$0x3F9B]  }
0x1a: {  	s8 =	sadd.s32 $0xFFFFE003, lr  }
0x1b: {  	s9 =	sadd.s32 $0xFFFFFEF7, lr;
	s5 =	simm.s32 $0xFFFFFFFF;
	p2 =	slt.u32 s8, $0xFFFFF086  }
0x1c: {  	p1 =	slt.u32 s9, $0xF7A;
	s5 =	simm.s32 @!p2 $0x0  }
0x1d: {  	s5 =	simm.s32 @p1 $0x1;
	p0 =	seq.s32 s7, s2  }
0x1e: {  	s7 =	smul.u32 @!p0 $0xF7A, s2;
	p2 =	seq.s32 @!p0 s5, $0x0  }
0x1f: {  	s9 =	smul.u32 $0xF7A, s1;
	s8 =	simm.s32 @!p0 $0x1BF5;
	p2 =	por !p2, p0  }
0x20: {  	[sflag:s8] =	ssyncset.s32 @!p0 $0xFFFFF086;
	s6 =	sadd.s32 @!p0 s3, s7;
	s7 =	simm.s32 @!p0 $0x108  }
0x21: {  	s3 =	sadd.s32 s3, s9;
	s6 =	sadd.s32 @!p0 $0x88, s6;
	s7 =	simm.s32 @p2 $0x1082  }
0x22: {  	[simem:s7], [sflag:s8] =	dma.local @!p0 [hbm:s6], $0xF7A  }
0x23: {  	s9 =	sor.u32 $0xD0000000, s2;
	s6 =	simm.s32 $0x108;
	_ =	swait.ge @!p0 [sflag:s8], $0x0  }
0x24: {  	s3 =	sadd.s32 $0x88, s3;
	s6 =	simm.s32 @!p1 $0x1082;
	[sflag:s4] =	ssyncset.s32 $0xFFFFF086  }
0x25: {  	[simem:s6], [sflag:s4] =	dma.local [hbm:s3], $0xF7A  }
0x26: {  	[smem:$0x3F9B] =	sst s1;
	(tag) =	ssettag s2;
	_ =	strace s9  }
0x27: {  	s1 =	sld [smem:$0x3FAB]  }
0x28: {  	s2 =	sld [smem:$0x3FAC]  }
0x29: {  	s4 =	sld [smem:$0x3FAE]  }
0x2a: {  	p0 =	seq.s32 s5, $0x0;
	s5 =	sld [smem:$0x3FAF]  }
0x2b: {  	s6 =	sld [smem:$0x3FB0]  }
0x2c: {  	s7 =	sld [smem:$0x3FB1]  }
0x2d: {  	s3 =	simm.s32 $0x108;
	s8 =	sld [smem:$0x3FB2]  }
0x2e: {  	s3 =	simm.s32 @!p0 $0x1082;
	s9 =	sld [smem:$0x3FB3]  }
0x2f: {  	lr =	sadd.s32 s0, s3;
	s0 =	sld [smem:$0x3FAA]  }
0x30: {  	s3 =	sld [smem:$0x3FAD]  }
0x31: {  	[smem:$0x3FB6] =	sst s10  }
0x32: {  	s10 =	sld [smem:$0x3FB4];
	_ =	sdelay $0x3  }
0x33: {  	p0 =	seq.s32 s10, $0x1;
	s10 =	sld [smem:$0x3FB6];
	_ =	sdelay $0x3  }
0x34: {  	[smem:$0x3FB6] =	sst s10  }
0x35: {  	s10 =	sld [smem:$0x3FB5];
	_ =	sdelay $0x3  }
0x36: {  	p1 =	seq.s32 s10, $0x1;
	s10 =	sld [smem:$0x3FB6];
	_ =	sdelay $0x3  }
0x37: {  	[smem:$0x3FB6] =	sst s10  }
0x38: {  	s10 =	sld [smem:$0x3FB7]  }
0x39: {  	_ = 	snop;
	(pc) =	sbr.ind lr, $3  }
0x3a: {  	_ = 	snop  }
0x3b: {  	_ = 	snop  }
0x3c: {  	p2 =	seq.s32 s10, $0x1;
	s10 =	sld [smem:$0x3FB6]  }
0x3d: {  	_ =	shalt  }
0x3e: {  	_ =	shalt  }
0x3f: {  	_ =	shalt  }
0x40: {  	_ =	shalt  }
0x41: {  	_ =	shalt  }
0x42: {  	_ =	shalt  }
0x43: {  	_ =	shalt  }
0x44: {  	_ =	shalt  }
0x45: {  	_ =	shalt  }
0x46: {  	_ =	shalt  }
0x47: {  	_ =	shalt  }
0x48: {  	_ =	shalt  }
0x49: {  	_ =	shalt  }
0x4a: {  	_ =	shalt  }
0x4b: {  	_ =	shalt  }
0x4c: {  	_ =	shalt  }
0x4d: {  	_ =	shalt  }
0x4e: {  	_ =	shalt  }
0x4f: {  	_ =	shalt  }
0x50: {  	_ =	shalt  }
0x51: {  	_ =	shalt  }
0x52: {  	_ =	shalt  }
0x53: {  	_ =	shalt  }
0x54: {  	_ =	shalt  }
0x55: {  	_ =	shalt  }
0x56: {  	_ =	shalt  }
0x57: {  	_ =	shalt  }
0x58: {  	_ =	shalt  }
0x59: {  	_ =	shalt  }
0x5a: {  	_ =	shalt  }
0x5b: {  	_ =	shalt  }
0x5c: {  	_ =	shalt  }
0x5d: {  	_ =	shalt  }
0x5e: {  	_ =	shalt  }
0x5f: {  	_ =	shalt  }
0x60: {  	_ =	shalt  }
0x61: {  	_ =	shalt  }
0x62: {  	_ =	shalt  }
0x63: {  	_ =	shalt  }
0x64: {  	_ =	shalt  }
0x65: {  	_ =	shalt  }
0x66: {  	_ =	shalt  }
0x67: {  	_ =	shalt  }
0x68: {  	_ =	shalt  }
0x69: {  	_ =	shalt  }
0x6a: {  	_ =	shalt  }
0x6b: {  	_ =	shalt  }
0x6c: {  	_ =	shalt  }
0x6d: {  	_ =	shalt  }
0x6e: {  	_ =	shalt  }
0x6f: {  	_ =	shalt  }
0x70: {  	_ =	shalt  }
0x71: {  	_ =	shalt  }
0x72: {  	_ =	shalt  }
0x73: {  	_ =	shalt  }
0x74: {  	_ =	shalt  }
0x75: {  	_ =	shalt  }
0x76: {  	_ =	shalt  }
0x77: {  	_ =	shalt  }
0x78: {  	_ =	shalt  }
0x79: {  	_ =	shalt  }
0x7a: {  	_ =	shalt  }
0x7b: {  	_ =	shalt  }
0x7c: {  	_ =	shalt  }
0x7d: {  	_ =	shalt  }
0x7e: {  	_ =	shalt  }
0x7f: {  	_ =	shalt  }
0x80: {  	_ =	shalt  }
0x81: {  	_ =	shalt  }
0x82: {  	_ =	shalt  }
0x83: {  	_ =	shalt  }
0x84: {  	_ =	shalt  }
0x85: {  	_ =	shalt  }
0x86: {  	_ =	shalt  }
0x87: {  	_ =	shalt  }
.Lfunc_end0:
.L_simem_size_0:
called_computation.1_lowered:
.L_overlay_start_0:
0x88: {  	s2 =	sld [smem:$0x3FD9]  }
0x89: {  	s3 =	sld [smem:$0x3FFE];
	_ =	sdelay $0x1  }
0x8a: {  	s1 =	srdreg.scid  }
0x8b: {  	s0 =	sand.u32 $0x1, s1  }
0x8c: {  	s14 =	sshll.u32 s0, $0xA;
	s2 =	sadd.s32 s3, s2  }
0x8d: {  	s2 =	sadd.s32 s2, s14  }
0x8e: {  	[smem:$0x3FC2] =	sst s2  }
0x8f: {  	_ = 	snop  }
0x90: {  	s2 =	sld [smem:$0x3FD0];
	_ =	sdelay $0x2  }
0x91: {  	s15 =	simm.s32 $0xB;
	s4 =	simm.s32 $0x10  }
0x92: {  	[smem:s4], [sflag:s15] =	dma.local [hbm:s2], $0x1  }
0x93: {  	_ =	swait.eq [sflag:s15], $0x1  }
0x94: {  	[sflag:s15] =	ssyncset.done $0x0  }
0x95: {  	s16 =	sld [smem:$0x10];
	[sflag:s15] =	ssyncadd.s32 $0xFFFFFFFF  }
0x96: {  	s17 =	sld [smem:$0x11];
	(tm) =	ssettm $0x1  }
0x97: {  	s18 =	sld [smem:$0x3FFB];
	_ =	sdelay $0x3  }
0x98: {  	_ =	strace s18  }
0x99: {  	s4 =	sld [smem:$0x3FFC];
	_ =	sdelay $0x3  }
0x9a: {  	_ =	strace s4  }
0x9b: {  	s4 =	sld [smem:$0x3FFD];
	_ =	sdelay $0x3  }
0x9c: {  	_ =	strace s4  }
0x9d: {  	_ =	strace $0x8FFFFFFF  }
0x9e: {  	s19 =	sld [smem:$0x3FDB];
	_ =	sdelay $0x1  }
0x9f: {  	s5 =	simm.s32 $_scs_section_size  }
0xa0: {  	s6 =	simm.s32 $_size__tile_overlayer_lowered;
	s7 =	simm.s32 $_tile_overlayer_lowered  }
0xa1: {  	s22 =	simm.s32 $0x1BFF;
	s21 =	sshll.u32 s7, $0x1;
	s4 =	sadd.s32 s5, s19  }
0xa2: {  	s8 =	simm.s32 $0x0;
	s20 =	sshll.u32 s6, $0x1;
	s6 =	sadd.s32 s21, s4  }
0xa3: {  	[timem:s8], [sflag:s22] =	dma.local [hbm:s6], s20  }
0xa4: {  	_ =	swait.ge [sflag:s22], s20  }
0xa5: {  	s5 =	ssub.s32 $0x0, s20;
	[sflag:s22] =	ssyncset.done $0x0  }
0xa6: {  	[sflag:s22] =	ssyncadd.s32 s5;
	_ =	sdelay $0x1  }
0xa7: {  	s23 =	simm.s32 $0x1B8B  }
0xa8: {  	_ =	swait.ge [sflag:s23], $0x1  }
0xa9: {  	[sflag:s23] =	ssyncset.done $0x0  }
0xaa: {  	s25 =	simm.s32 $0x1B8E;
	s24 =	sld [smem:$0x3FFE];
	[sflag:s23] =	ssyncadd.s32 $0xFFFFFFFF  }
0xab: {  	s26 =	simm.s32 $execute0_lowered;
	[smem:$0x3FD2] =	sst s25  }
0xac: {  	s6 =	sshll.u32 s26, $0x1;
	_ =	strace $0x80000046;
	[dreg:$0x1] =	wrdreg $0xFFFFFFFF  }
0xad: {  	s28 =	simm.s32 $_size_execute0_lowered;
	s4 =	sadd.s32 s4, s6;
	[dreg:$0x0] =	wrdreg $0x0  }
0xae: {  	s6 =	sshll.u32 s28, $0x1;
	[dreg:$0x2] =	wrdreg s4  }
0xaf: {  	[dreg:$0x3] =	wrdreg s6  }
0xb0: {  	[dreg:$0x4] =	wrdreg $0xC0  }
0xb1: {  	_ =	task [dreg:s8], $0x5FFFF  }
0xb2: {  	[dreg:$0x1] =	wrdreg $0xFFFFFFFF  }
0xb3: {  	[dreg:$0x0] =	wrdreg $0x60  }
0xb4: {  	[dreg:$0x2] =	wrdreg s16  }
0xb5: {  	[dreg:$0x3] =	wrdreg s24  }
0xb6: {  	[dreg:$0x4] =	wrdreg s17  }
0xb7: {  	[dreg:$0x5] =	wrdreg $0xA  }
0xb8: {  	_ =	task.clear_ibuf [dreg:s8], $0x6FFFF;
	_ =	strace $0x90000046  }
0xb9: {  	s29 =	simm.s32 $0xA;
	_ =	strace $0x80000048  }
0xba: {  	_ =	swait.ge [sflag:s29], $0x1  }
0xbb: {  	[sflag:s29] =	ssyncadd.s32 $0xFFFFFFFF  }
0xbc: {  	_ =	strace $0x90000048  }
0xbd: {  	_ =	sfence  }
0xbe: {  	s30 =	sld [smem:$0x0];
	_ =	sdelay $0x2  }
0xbf: {  	s31 =	sshll.u32 s1, $0xD;
	s1 =	sshrl.u32 s1, $0x2  }
0xc0: {  	s3 =	sand.u32 $0x4000, s31;
	s1 =	sadd.s32 s1, s30  }
0xc1: {  	s0 =	sor.u32 s3, s0;
	s1 =	sshll.u32 s1, $0x11  }
0xc2: {  	s0 =	sor.u32 s1, s0  }
0xc3: {  	s0 =	sadd.s32 $0x8F2B, s0  }
0xc4: {  	[sflag:s0] =	ssyncadd.remote.s32 $0x1  }
0xc5: {  	_ =	sfence.sel $0xFFFF  }
0xc6: {  	[dreg:$0x0] =	wrdreg $0xFFFFFFFF;
	(pc) =	sbr.abs _section_cstart, $3  }
0xc7: {  	[dreg:$0x1] =	wrdreg $0xFFFFFFFF  }
0xc8: {  	_ =	task.clear_ibuf [dreg:s8], $0x2FFFF;
	_ =	strace $0x9FFFFFFF  }
0xc9: {  	(tm) =	ssettm $0x7FFFFFFF  }
tec
execute0_lowered:
.L_overlay_start_1:
0x0: {  	(tag) =	ssettag $0x1  }
0x1: {  	s4 =	rddreg [dreg:$0x0]  }
0x2: {  	s3 =	rddreg [dreg:$0x1]  }
0x3: {  	s8 =	rddreg [dreg:$0x2]  }
0x4: {  	s0 =	rddreg [dreg:$0x3];
	s2 =	simm.s32 $0x0  }
0x5: {  	s5 =	srdreg.scid;
	s1 =	stileid.u32;
	s11 =	simm.s32 $0x1  }
0x6: {  	s6 =	simm.s32 $0x1;
	s7 =	sand.u32 $0x1, s5;
	s29 =	sshll.u32 s1, $0x1  }
0x7: {  	[smem:$0x7FF] =	sst s2;
	s3 =	sadd.s32 $0x18A600, s3;
	s5 =	sor.u32 s7, s29  }
0x8: {  	_ =	strace $0x80000047;
	p1 =	seq.s32 s7, $0x1;
	p0 =	seq.s32 s5, $0x0  }
0x9: {  	s9 =	ssub.s32 $0x2, s7;
	s5 =	sshll.u32 s5, $0x6;
	p0 =	por !p0, !p1  }
0xa: {  	s7 =	sshll.u32 s7, $0x6;
	s4 =	sadd.s32 s4, s5;
	p0 =	por !p0, !p0  }
0xb: {  	[tilespmem:s2], [sflag:$0x2] =	stream.linear.gather [hbm4b:s4+s2], $0x200, $0x38;
	[tilespmem:$0x8200] =	vst v63  }
0xc: {  	s10 =	sshrl.u32 s9, $0x1;
	s5 =	simm.s32 $0x2;
	s11 =	simm.s32 @!p0 $0x0  }
0xd: {  	s9 =	ssub.s32 s9, s10;
	_ =	swait.ge [sflag:s5], $0x200;
	s11 =	ssub.s32 s1, s11  }
0xe: {  	s31 =	smax.u32 s9, $0x1;
	[sflag:s5] =	ssyncset.done $0x0;
	s11 =	sshll.u32 s11, $0x10  }
0xf: {  	[sflag:s5] =	ssyncadd.s32 $0xFFFFFE00;
	s11 =	sor.u32 s7, s11;
	s7 =	simm.s32 $0x200  }
0x10: {  	[tilespmem:s7], [sflag:$0x1] =	stream.indirect.gather [hbm4b:s3+s7], $0x40, s2, s7, $0xb8;
	[tilespmem:$0x8200] =	vst v63  }
0x11: {  	s10 =	simm.s32 $0x80;
	p0 =	sne.s32 s31, $0x1;
	_ =	swait.ge [sflag:s6], $0x8000  }
.Ltmp0:
0x12: {  	s30 =	sshrl.u32 s11, $0x3;
	[sflag:s6] =	ssyncset.done $0x0;
	(pc) =	sbr.rel @!p0 .LBB2_2-.Ltmp0, $4  }
0x13: {  	s9 =	simm.s32 $0x40;
	s8 =	sadd.s32 s8, s30;
	[sflag:s6] =	ssyncadd.s32 $0xFFFF8000  }
0x14: {  	[hbm4b:s8+s9] =	stream.strided.scatter [tilespmem:s7], [sflag:$0x2], $0x8000, s10, s9, $0x38;
	[tilespmem:$0x8200] =	vst v63  }
0x15: {  	_ =	swait.ge [sflag:s5], $0x8000  }
0x16: {  	s11 =	sadd.s32 $0xFFFFFFFF, s31;
	[sflag:s5] =	ssyncset.done $0x0  }
.LBB2_1:
0x17: {  	p0 =	sne.s32 s11, $0x1;
	s11 =	sadd.s32 $0xFFFFFFFF, s11;
	[sflag:s5] =	ssyncadd.s32 $0xFFFF8000  }
0x18: {  	[tilespmem:s2], [sflag:$0x2] =	stream.linear.gather [hbm4b:s4+s2], $0x200, $0x38;
	[tilespmem:$0x8200] =	vst v63  }
0x19: {  	_ =	swait.ge [sflag:s5], $0x200  }
0x1a: {  	[sflag:s5] =	ssyncset.done $0x0  }
0x1b: {  	[sflag:s5] =	ssyncadd.s32 $0xFFFFFE00  }
0x1c: {  	[tilespmem:s7], [sflag:$0x1] =	stream.indirect.gather [hbm4b:s3+s7], $0x40, s2, s7, $0xb8;
	[tilespmem:$0x8200] =	vst v63  }
0x1d: {  	_ =	swait.ge [sflag:s6], $0x8000  }
.Ltmp1:
0x1e: {  	[sflag:s6] =	ssyncset.done $0x0;
	(pc) =	sbr.rel @p0 .LBB2_1-.Ltmp1, $4  }
0x1f: {  	[sflag:s6] =	ssyncadd.s32 $0xFFFF8000  }
0x20: {  	[hbm4b:s8+s9] =	stream.strided.scatter [tilespmem:s7], [sflag:$0x2], $0x8000, s10, s9, $0x38;
	[tilespmem:$0x8200] =	vst v63  }
0x21: {  	_ =	swait.ge [sflag:s5], $0x8000  }
0x22: {  	[sflag:s5] =	ssyncset.done $0x0  }
.LBB2_2:
0x23: {  	[sflag:s5] =	ssyncadd.s32 $0xFFFF8000  }
0x24: {  	_ =	sfence.sel $0x180000  }
0x25: {  	[bflag:$0x0] =	sbarrier.arrive $0xFFFF  }
0x26: {  	p0 =	sne.s32 s1, $0x0;
	_ =	strace $0x90000047  }
0x27: {  	s0 =	sadd.s32 @!p0 $0x100000, s0;
	[bflag:$0x2] =	sbarrier.arrive $0xFFFF  }
0x28: {  	[sflag:s0] =	ssyncadd.tile.s32 @!p0 $0x1;
	_ =	shalt  }
.Lfunc_end2:
_tile_overlayer_lowered:
.L_overlay_start_2:
0x29: {  	(tag) =	ssettag $0x2  }
0x2a: {  	s0 =	rddreg [dreg:$0x0];
	s2 =	stileid.u32  }
0x2b: {  	s1 =	rddreg [dreg:$0x1];
	p0 =	sne.s32 s2, $0x0  }
0x2c: {  	s3 =	rddreg [dreg:$0x2];
	[bflag:$0x3] =	sbarrier.arrive $0xFFFF;
	s2 =	simm.s32 @!p0 $0x1C02  }
0x2d: {  	[timem:s3], [sflag:s2] =	dma.local @!p0 [hbm:s0], s1  }
0x2e: {  	s0 =	simm.s32 @!p0 $0x2  }
0x2f: {  	_ =	swait.ge @!p0 [sflag:s0], s1  }
0x30: {  	s1 =	ssub.s32 @!p0 $0x0, s1;
	[sflag:s0] =	ssyncset.done @!p0 $0x0  }
0x31: {  	[sflag:s0] =	ssyncadd.s32 @!p0 s1  }
0x32: {  	[bflag:$0x3] =	sbarrier.arrive $0xFFFF  }
0x33: {  	_ =	shalt  }

</sc_bundles>
